<compile_context>
chip_gen: v7x
topology: tpu7x:2x2x1
jax: 0.10.2.dev20260603
libtpu: 0.0.44.dev20260713+nightly
codegen_flags: <defaults>
</compile_context>

<pallas_src>
import functools

import jax
import jax.numpy as jnp
from jax import lax
from jax.experimental import pallas as pl
from jax.experimental.pallas import tpu as pltpu
from jax.experimental.pallas import tpu_sc as plsc

CAP = 300
CPAD = 304
CHUNK = 512


def _route_kernel(E, G, x_ref, wr_ref, br_ref, dst_ref, carry_ref):
    j = pl.program_id(0)

    @pl.when(j == 0)
    def _():
        carry_ref[...] = jnp.zeros_like(carry_ref)

    x = x_ref[0]
    r = jnp.dot(x, wr_ref[...], preferred_element_type=jnp.float32)
    rt = r.T + br_ref[...]
    m = jnp.max(rt, axis=0, keepdims=True)
    ex = jnp.exp(rt - m)
    p = ex / jnp.sum(ex, axis=0, keepdims=True)
    eidx = lax.broadcasted_iota(jnp.int32, p.shape, 0)
    pm = jnp.max(p, axis=0, keepdims=True)
    ids = jnp.min(jnp.where(p == pm, eidx, E), axis=0, keepdims=True)
    oh = (eidx == ids).astype(jnp.float32)
    ri = lax.broadcasted_iota(jnp.int32, (CHUNK, CHUNK), 0)
    ci = lax.broadcasted_iota(jnp.int32, (CHUNK, CHUNK), 1)
    triu = (ri <= ci).astype(jnp.float32)
    csum = jnp.dot(oh, triu, preferred_element_type=jnp.float32)
    total = carry_ref[...] + csum
    carry_ref[...] = total[:, CHUNK - 1 : CHUNK]
    posf = jnp.sum(total * oh, axis=0, keepdims=True) - 1.0
    pos = posf.astype(jnp.int32)
    keep = pos < CAP
    nvec = j * CHUNK + lax.broadcasted_iota(jnp.int32, (1, CHUNK), 1)
    dst = jnp.where(keep, ids * CPAD + pos, G + nvec)
    dst_ref[...] = dst.reshape(1, 1, CHUNK)


def _route(inp, Wr, br):
    B, S, D = inp.shape
    N = B * S
    E = br.shape[0]
    G = E * CPAD
    dst = pl.pallas_call(
        functools.partial(_route_kernel, E, G),
        grid=(N // CHUNK,),
        in_specs=[
            pl.BlockSpec((1, CHUNK, D), lambda j: (0, j, 0)),
            pl.BlockSpec((D, E), lambda j: (0, 0)),
            pl.BlockSpec((E, 1), lambda j: (0, 0)),
        ],
        out_specs=pl.BlockSpec((1, 1, CHUNK), lambda j: (j, 0, 0)),
        out_shape=jax.ShapeDtypeStruct((N // CHUNK, 1, CHUNK), jnp.int32),
        scratch_shapes=[pltpu.VMEM((E, 1), jnp.float32)],
    )(inp, Wr, br.reshape(E, 1))
    return dst.reshape(N)


def _dispatch(x, dst, W_ROWS):
    B, S, D = x.shape
    N = B * S
    info = plsc.get_sparse_core_info()
    NC, NS = info.num_cores, info.num_subcores
    NW = NC * NS
    tpw = N // NW
    mesh = plsc.VectorSubcoreMesh(core_axis_name="c", subcore_axis_name="s")

    hpw = tpw // 2

    @functools.partial(
        pl.kernel,
        mesh=mesh,
        out_type=jax.ShapeDtypeStruct((W_ROWS, D), jnp.float32),
        scratch_types=[
            pltpu.VMEM((hpw,), jnp.int32),
            pltpu.VMEM((hpw,), jnp.int32),
            pltpu.VMEM((hpw, D), jnp.float32),
            pltpu.VMEM((hpw, D), jnp.float32),
            pltpu.SemaphoreType.DMA,
            pltpu.SemaphoreType.DMA,
            pltpu.SemaphoreType.DMA,
            pltpu.SemaphoreType.DMA,
        ],
    )
    def k2(x_hbm, dst_hbm, w_hbm, d0, d1, b0, b1, sl0, sl1, ss0, ss1):
        wid = lax.axis_index("s") * NC + lax.axis_index("c")
        base = wid * tpw
        ld0 = pltpu.async_copy(x_hbm.at[0, pl.ds(base, hpw)], b0, sl0)
        ld1 = pltpu.async_copy(x_hbm.at[0, pl.ds(base + hpw, hpw)], b1, sl1)
        pltpu.sync_copy(dst_hbm.at[pl.ds(base, hpw)], d0)
        pltpu.sync_copy(dst_hbm.at[pl.ds(base + hpw, hpw)], d1)
        ld0.wait()
        st0 = pltpu.async_copy(b0, w_hbm.at[d0], ss0)
        ld1.wait()
        st1 = pltpu.async_copy(b1, w_hbm.at[d1], ss1)
        st0.wait()
        st1.wait()

    return k2(x, dst)


def _ffn_kernel(w_ref, we_ref, be_ref, y_ref):
    xb = w_ref[...].astype(jnp.bfloat16)
    wb = we_ref[0].astype(jnp.bfloat16)
    y = jnp.dot(xb, wb, preferred_element_type=jnp.float32)
    y_ref[...] = y + be_ref[0]


def _ffn(w, We, be):
    R, D = w.shape
    E = be.shape[0]
    ybig = pl.pallas_call(
        _ffn_kernel,
        grid=(E,),
        in_specs=[
            pl.BlockSpec((CPAD, D), lambda i: (i, 0)),
            pl.BlockSpec((1, D, D), lambda i: (i, 0, 0)),
            pl.BlockSpec((1, 1, D), lambda i: (i, 0, 0)),
        ],
        out_specs=pl.BlockSpec((CPAD, D), lambda i: (i, 0)),
        out_shape=jax.ShapeDtypeStruct((R, D), jnp.float32),
        input_output_aliases={0: 0},
    )(w, We, be.reshape(E, 1, D))
    return ybig


def _combine(ybig, dst, N, D):
    info = plsc.get_sparse_core_info()
    NC, NS = info.num_cores, info.num_subcores
    NW = NC * NS
    tpw = N // NW
    mesh = plsc.VectorSubcoreMesh(core_axis_name="c", subcore_axis_name="s")

    hpw = tpw // 2

    @functools.partial(
        pl.kernel,
        mesh=mesh,
        out_type=jax.ShapeDtypeStruct((N, D), jnp.float32),
        scratch_types=[
            pltpu.VMEM((hpw,), jnp.int32),
            pltpu.VMEM((hpw,), jnp.int32),
            pltpu.VMEM((hpw, D), jnp.float32),
            pltpu.VMEM((hpw, D), jnp.float32),
            pltpu.SemaphoreType.DMA,
            pltpu.SemaphoreType.DMA,
            pltpu.SemaphoreType.DMA,
            pltpu.SemaphoreType.DMA,
        ],
    )
    def k4(ybig_hbm, dst_hbm, out_hbm, d0, d1, b0, b1, sg0, sg1, so0, so1):
        wid = lax.axis_index("s") * NC + lax.axis_index("c")
        base = wid * tpw
        pltpu.sync_copy(dst_hbm.at[pl.ds(base, hpw)], d0)
        pltpu.sync_copy(dst_hbm.at[pl.ds(base + hpw, hpw)], d1)
        g0 = pltpu.async_copy(ybig_hbm.at[d0], b0, sg0)
        g1 = pltpu.async_copy(ybig_hbm.at[d1], b1, sg1)
        g0.wait()
        st0 = pltpu.async_copy(b0, out_hbm.at[pl.ds(base, hpw)], so0)
        g1.wait()
        st1 = pltpu.async_copy(b1, out_hbm.at[pl.ds(base + hpw, hpw)], so1)
        st0.wait()
        st1.wait()

    return k4(ybig, dst)


def kernel(input, Wr, br, We, be):
    B, S, D = input.shape
    E = br.shape[0]
    N = B * S
    G = E * CPAD

    dst = _route(input, Wr, br)
    w = _dispatch(input, dst, G + N)
    ybig = _ffn(w, We, be)
    out = _combine(ybig, dst, N, D)
    return out.reshape(B, S, D)

# --- scband reference (transcript-rebuilt; emitter-appended) ---
"""Pipeline reference for scband-moe-91139206021768 (READ-ONLY COPY).

The authoritative reference and input builder live on the scoring server;
editing this copy changes nothing except your own understanding.
"""

import jax, jax.numpy as jnp
import numpy as np

CAPACITY = 300

def setup_inputs(seed: int = 0) -> dict:
    key = jax.random.key(seed)
    k1, k2, k3, k4 = jax.random.split(key, 4)
    B, S, D, E = 1, 2048, 768, 8
    inp = jax.random.normal(k1, (B, S, D), dtype=jnp.float32)
    Wr = jax.random.normal(k2, (D, E), dtype=jnp.float32) * 0.02
    br = jnp.zeros((E,), dtype=jnp.float32)
    We = jax.random.normal(k3, (E, D, D), dtype=jnp.float32) * 0.02
    be = jnp.zeros((E, D), dtype=jnp.float32)
    return {"input": inp, "Wr": Wr, "br": br, "We": We, "be": be}

def reference(input, Wr, br, We, be):
    B, S, D = input.shape
    E = br.shape[0]
    N = B * S
    router_out = input @ Wr + br
    logits = jax.nn.softmax(router_out, axis=-1)
    expert_ids = jnp.argmax(logits, axis=2)
    flat_input = input.reshape(N, D)
    flat_ids = expert_ids.reshape(N)
    # position of each token within its expert's arrival order (first-come capacity)
    onehot = jax.nn.one_hot(flat_ids, E, dtype=jnp.int32)
    pos = jnp.cumsum(onehot, axis=0)[jnp.arange(N), flat_ids] - 1
    keep = pos < CAPACITY
    # compute every expert's output for every token, then select routed expert
    y_all = jnp.einsum('nd,edf->nef', flat_input, We) + be[None, :, :]
    y = jnp.take_along_axis(y_all, flat_ids[:, None, None], axis=1)[:, 0, :]
    out = jnp.where(keep[:, None], y, flat_input)
    return out.reshape(B, S, D)

if __name__ == "__main__":
    import jax
    _d = setup_inputs()
    print(jax.jit(kernel)(*tuple(_d.values())))

</pallas_src>

<mosaic_0001>
#map = affine_map<(d0, d1) -> (0, 0)>
#map1 = affine_map<(d0, d1) -> (0)>
module attributes {stable_mosaic.version = 14 : i64} {
  func.func @k4(%arg0: i32, %arg1: i32, %arg2: memref<4480x768xf32, #tpu.memory_space<hbm>>, %arg3: memref<2048xi32, #tpu.memory_space<hbm>>, %arg4: memref<2048x768xf32, #tpu.memory_space<hbm>>, %arg5: memref<32xi32, #tpu.memory_space<vmem>>, %arg6: memref<32xi32, #tpu.memory_space<vmem>>, %arg7: memref<32x768xf32, #tpu.memory_space<vmem>>, %arg8: memref<32x768xf32, #tpu.memory_space<vmem>>, %arg9: memref<!tpu.dma_semaphore, #tpu.memory_space<semaphore_mem>>, %arg10: memref<!tpu.dma_semaphore, #tpu.memory_space<semaphore_mem>>, %arg11: memref<!tpu.dma_semaphore, #tpu.memory_space<semaphore_mem>>, %arg12: memref<!tpu.dma_semaphore, #tpu.memory_space<semaphore_mem>>) attributes {dimension_semantics = [#tpu.dimension_semantics<core_parallel>, #tpu.dimension_semantics<subcore_parallel>], iteration_bounds = array<i64: 2, 16>, scalar_prefetch = 0 : i64, scratch_operands = 8 : i64, tpu.core_type = #tpu.core_type<sc_vector_subcore>, window_params = [{transform_indices = #map}, {transform_indices = #map1}, {transform_indices = #map}]} {
    %mul3A = arith.constant 2 : i32
    %mul3A_0 = arith.muli %arg1, %mul3A : i32
    %add3A = arith.addi %mul3A_0, %arg0 : i32
    %mul3A_1 = arith.constant 64 : i32
    %mul3A_2 = arith.muli %add3A, %mul3A_1 : i32
    "tpu.region"() ({
      %run_scoped3A = tpu.sem_alloc : memref<!tpu.dma_semaphore, #tpu.memory_space<semaphore_mem>>
      %dma_start3A_33 = tpu.memref_slice %arg3[%mul3A_2] : memref<2048xi32, #tpu.memory_space<hbm>> -> memref<32xi32, #tpu.memory_space<hbm>>
      %dma_start3A_34 = tpu.memref_slice %arg3[%mul3A_2] : memref<2048xi32, #tpu.memory_space<hbm>> -> memref<32xi32, #tpu.memory_space<hbm>>
      tpu.enqueue_dma source(%dma_start3A_34 : memref<32xi32, #tpu.memory_space<hbm>>) target(%arg5 : memref<32xi32, #tpu.memory_space<vmem>>) target_semaphore(%run_scoped3A : memref<!tpu.dma_semaphore, #tpu.memory_space<semaphore_mem>>)
      %dma_wait3A_35 = tpu.memref_slice %arg3[%mul3A_2] : memref<2048xi32, #tpu.memory_space<hbm>> -> memref<32xi32, #tpu.memory_space<hbm>>
      %dma_wait3A_36 = tpu.memref_slice %arg3[%mul3A_2] : memref<2048xi32, #tpu.memory_space<hbm>> -> memref<32xi32, #tpu.memory_space<hbm>>
      tpu.wait_dma2 semaphore(%run_scoped3A : memref<!tpu.dma_semaphore, #tpu.memory_space<semaphore_mem>>) src(%dma_wait3A_36 : memref<32xi32, #tpu.memory_space<hbm>>) dst(%arg5 : memref<32xi32, #tpu.memory_space<vmem>>)
      tpu.yield
    }) : () -> ()
    %add3A_3 = arith.constant 32 : i32
    %add3A_4 = arith.addi %mul3A_2, %add3A_3 : i32
    "tpu.region"() ({
      %run_scoped3A = tpu.sem_alloc : memref<!tpu.dma_semaphore, #tpu.memory_space<semaphore_mem>>
      %dma_start3A_33 = tpu.memref_slice %arg3[%add3A_4] : memref<2048xi32, #tpu.memory_space<hbm>> -> memref<32xi32, #tpu.memory_space<hbm>>
      %dma_start3A_34 = tpu.memref_slice %arg3[%add3A_4] : memref<2048xi32, #tpu.memory_space<hbm>> -> memref<32xi32, #tpu.memory_space<hbm>>
      tpu.enqueue_dma source(%dma_start3A_34 : memref<32xi32, #tpu.memory_space<hbm>>) target(%arg6 : memref<32xi32, #tpu.memory_space<vmem>>) target_semaphore(%run_scoped3A : memref<!tpu.dma_semaphore, #tpu.memory_space<semaphore_mem>>)
      %dma_wait3A_35 = tpu.memref_slice %arg3[%add3A_4] : memref<2048xi32, #tpu.memory_space<hbm>> -> memref<32xi32, #tpu.memory_space<hbm>>
      %dma_wait3A_36 = tpu.memref_slice %arg3[%add3A_4] : memref<2048xi32, #tpu.memory_space<hbm>> -> memref<32xi32, #tpu.memory_space<hbm>>
      tpu.wait_dma2 semaphore(%run_scoped3A : memref<!tpu.dma_semaphore, #tpu.memory_space<semaphore_mem>>) src(%dma_wait3A_36 : memref<32xi32, #tpu.memory_space<hbm>>) dst(%arg6 : memref<32xi32, #tpu.memory_space<vmem>>)
      tpu.yield
    }) : () -> ()
    %dma_start3A = arith.constant 0 : i32
    %dma_start3A_5 = arith.constant 0 : i32
    %dma_start3A_6 = tpu.memref_slice %arg2[%dma_start3A, %dma_start3A_5] : memref<4480x768xf32, #tpu.memory_space<hbm>> -> memref<4480x768xf32, #tpu.memory_space<hbm>>
    tpu.enqueue_indirect_dma source(%dma_start3A_6 : memref<4480x768xf32, #tpu.memory_space<hbm>>) target(%arg7 : memref<32x768xf32, #tpu.memory_space<vmem>>) offsets(%arg5 : memref<32xi32, #tpu.memory_space<vmem>>) semaphore(%arg9 : memref<!tpu.dma_semaphore, #tpu.memory_space<semaphore_mem>>)
    %dma_start3A_7 = arith.constant 0 : i32
    %dma_start3A_8 = arith.constant 0 : i32
    %dma_start3A_9 = tpu.memref_slice %arg2[%dma_start3A_7, %dma_start3A_8] : memref<4480x768xf32, #tpu.memory_space<hbm>> -> memref<4480x768xf32, #tpu.memory_space<hbm>>
    tpu.enqueue_indirect_dma source(%dma_start3A_9 : memref<4480x768xf32, #tpu.memory_space<hbm>>) target(%arg8 : memref<32x768xf32, #tpu.memory_space<vmem>>) offsets(%arg6 : memref<32xi32, #tpu.memory_space<vmem>>) semaphore(%arg10 : memref<!tpu.dma_semaphore, #tpu.memory_space<semaphore_mem>>)
    %dma_wait3A = arith.constant 0 : i32
    %dma_wait3A_10 = arith.constant 0 : i32
    %dma_wait3A_11 = tpu.memref_slice %arg2[%dma_wait3A, %dma_wait3A_10] : memref<4480x768xf32, #tpu.memory_space<hbm>> -> memref<4480x768xf32, #tpu.memory_space<hbm>>
    tpu.wait_indirect_dma semaphore(%arg9 : memref<!tpu.dma_semaphore, #tpu.memory_space<semaphore_mem>>) src(%dma_wait3A_11 : memref<4480x768xf32, #tpu.memory_space<hbm>>) dst(%arg7 : memref<32x768xf32, #tpu.memory_space<vmem>>)
    %dma_start3A_12 = arith.constant 0 : i32
    %dma_start3A_13 = tpu.memref_slice %arg4[%mul3A_2, %dma_start3A_12] : memref<2048x768xf32, #tpu.memory_space<hbm>> -> memref<32x768xf32, #tpu.memory_space<hbm>>
    %dma_start3A_14 = arith.constant 0 : i32
    %dma_start3A_15 = tpu.memref_slice %arg4[%mul3A_2, %dma_start3A_14] : memref<2048x768xf32, #tpu.memory_space<hbm>> -> memref<32x768xf32, #tpu.memory_space<hbm>>
    tpu.enqueue_dma source(%arg7 : memref<32x768xf32, #tpu.memory_space<vmem>>) target(%dma_start3A_15 : memref<32x768xf32, #tpu.memory_space<hbm>>) target_semaphore(%arg11 : memref<!tpu.dma_semaphore, #tpu.memory_space<semaphore_mem>>)
    %dma_wait3A_16 = arith.constant 0 : i32
    %dma_wait3A_17 = arith.constant 0 : i32
    %dma_wait3A_18 = tpu.memref_slice %arg2[%dma_wait3A_16, %dma_wait3A_17] : memref<4480x768xf32, #tpu.memory_space<hbm>> -> memref<4480x768xf32, #tpu.memory_space<hbm>>
    tpu.wait_indirect_dma semaphore(%arg10 : memref<!tpu.dma_semaphore, #tpu.memory_space<semaphore_mem>>) src(%dma_wait3A_18 : memref<4480x768xf32, #tpu.memory_space<hbm>>) dst(%arg8 : memref<32x768xf32, #tpu.memory_space<vmem>>)
    %add3A_19 = arith.constant 32 : i32
    %add3A_20 = arith.addi %mul3A_2, %add3A_19 : i32
    %dma_start3A_21 = arith.constant 0 : i32
    %dma_start3A_22 = tpu.memref_slice %arg4[%add3A_20, %dma_start3A_21] : memref<2048x768xf32, #tpu.memory_space<hbm>> -> memref<32x768xf32, #tpu.memory_space<hbm>>
    %dma_start3A_23 = arith.constant 0 : i32
    %dma_start3A_24 = tpu.memref_slice %arg4[%add3A_20, %dma_start3A_23] : memref<2048x768xf32, #tpu.memory_space<hbm>> -> memref<32x768xf32, #tpu.memory_space<hbm>>
    tpu.enqueue_dma source(%arg8 : memref<32x768xf32, #tpu.memory_space<vmem>>) target(%dma_start3A_24 : memref<32x768xf32, #tpu.memory_space<hbm>>) target_semaphore(%arg12 : memref<!tpu.dma_semaphore, #tpu.memory_space<semaphore_mem>>)
    %dma_wait3A_25 = arith.constant 0 : i32
    %dma_wait3A_26 = tpu.memref_slice %arg4[%mul3A_2, %dma_wait3A_25] : memref<2048x768xf32, #tpu.memory_space<hbm>> -> memref<32x768xf32, #tpu.memory_space<hbm>>
    %dma_wait3A_27 = arith.constant 0 : i32
    %dma_wait3A_28 = tpu.memref_slice %arg4[%mul3A_2, %dma_wait3A_27] : memref<2048x768xf32, #tpu.memory_space<hbm>> -> memref<32x768xf32, #tpu.memory_space<hbm>>
    tpu.wait_dma2 semaphore(%arg11 : memref<!tpu.dma_semaphore, #tpu.memory_space<semaphore_mem>>) src(%arg7 : memref<32x768xf32, #tpu.memory_space<vmem>>) dst(%dma_wait3A_28 : memref<32x768xf32, #tpu.memory_space<hbm>>)
    %dma_wait3A_29 = arith.constant 0 : i32
    %dma_wait3A_30 = tpu.memref_slice %arg4[%add3A_20, %dma_wait3A_29] : memref<2048x768xf32, #tpu.memory_space<hbm>> -> memref<32x768xf32, #tpu.memory_space<hbm>>
    %dma_wait3A_31 = arith.constant 0 : i32
    %dma_wait3A_32 = tpu.memref_slice %arg4[%add3A_20, %dma_wait3A_31] : memref<2048x768xf32, #tpu.memory_space<hbm>> -> memref<32x768xf32, #tpu.memory_space<hbm>>
    tpu.wait_dma2 semaphore(%arg12 : memref<!tpu.dma_semaphore, #tpu.memory_space<semaphore_mem>>) src(%arg8 : memref<32x768xf32, #tpu.memory_space<vmem>>) dst(%dma_wait3A_32 : memref<32x768xf32, #tpu.memory_space<hbm>>)
    return
  }
}

#map = affine_map<(d0, d1) -> (0, 0, 0)>
#map1 = affine_map<(d0, d1) -> (0)>
#map2 = affine_map<(d0, d1) -> (0, 0)>
module attributes {stable_mosaic.version = 14 : i64} {
  func.func @k2(%arg0: i32, %arg1: i32, %arg2: memref<1x2048x768xf32, #tpu.memory_space<hbm>>, %arg3: memref<2048xi32, #tpu.memory_space<hbm>>, %arg4: memref<4480x768xf32, #tpu.memory_space<hbm>>, %arg5: memref<32xi32, #tpu.memory_space<vmem>>, %arg6: memref<32xi32, #tpu.memory_space<vmem>>, %arg7: memref<32x768xf32, #tpu.memory_space<vmem>>, %arg8: memref<32x768xf32, #tpu.memory_space<vmem>>, %arg9: memref<!tpu.dma_semaphore, #tpu.memory_space<semaphore_mem>>, %arg10: memref<!tpu.dma_semaphore, #tpu.memory_space<semaphore_mem>>, %arg11: memref<!tpu.dma_semaphore, #tpu.memory_space<semaphore_mem>>, %arg12: memref<!tpu.dma_semaphore, #tpu.memory_space<semaphore_mem>>) attributes {dimension_semantics = [#tpu.dimension_semantics<core_parallel>, #tpu.dimension_semantics<subcore_parallel>], iteration_bounds = array<i64: 2, 16>, scalar_prefetch = 0 : i64, scratch_operands = 8 : i64, tpu.core_type = #tpu.core_type<sc_vector_subcore>, window_params = [{transform_indices = #map}, {transform_indices = #map1}, {transform_indices = #map2}]} {
    %mul3A = arith.constant 2 : i32
    %mul3A_0 = arith.muli %arg1, %mul3A : i32
    %add3A = arith.addi %mul3A_0, %arg0 : i32
    %mul3A_1 = arith.constant 64 : i32
    %mul3A_2 = arith.muli %add3A, %mul3A_1 : i32
    %dma_start3A = arith.constant 0 : i32
    %dma_start3A_3 = arith.constant 0 : i32
    %dma_start3A_4 = tpu.memref_slice %arg2[%dma_start3A, %mul3A_2, %dma_start3A_3] : memref<1x2048x768xf32, #tpu.memory_space<hbm>> -> memref<1x32x768xf32, #tpu.memory_space<hbm>>
    %dma_start3A_5 = tpu.memref_squeeze %dma_start3A_4 : memref<1x32x768xf32, #tpu.memory_space<hbm>> -> memref<32x768xf32, #tpu.memory_space<hbm>>
    %dma_start3A_6 = arith.constant 0 : i32
    %dma_start3A_7 = tpu.memref_slice %arg2[%dma_start3A, %mul3A_2, %dma_start3A_6] : memref<1x2048x768xf32, #tpu.memory_space<hbm>> -> memref<1x32x768xf32, #tpu.memory_space<hbm>>
    %dma_start3A_8 = tpu.memref_squeeze %dma_start3A_7 : memref<1x32x768xf32, #tpu.memory_space<hbm>> -> memref<32x768xf32, #tpu.memory_space<hbm>>
    tpu.enqueue_dma source(%dma_start3A_8 : memref<32x768xf32, #tpu.memory_space<hbm>>) target(%arg7 : memref<32x768xf32, #tpu.memory_space<vmem>>) target_semaphore(%arg9 : memref<!tpu.dma_semaphore, #tpu.memory_space<semaphore_mem>>)
    %add3A_9 = arith.constant 32 : i32
    %add3A_10 = arith.addi %mul3A_2, %add3A_9 : i32
    %dma_start3A_11 = arith.constant 0 : i32
    %dma_start3A_12 = arith.constant 0 : i32
    %dma_start3A_13 = tpu.memref_slice %arg2[%dma_start3A_11, %add3A_10, %dma_start3A_12] : memref<1x2048x768xf32, #tpu.memory_space<hbm>> -> memref<1x32x768xf32, #tpu.memory_space<hbm>>
    %dma_start3A_14 = tpu.memref_squeeze %dma_start3A_13 : memref<1x32x768xf32, #tpu.memory_space<hbm>> -> memref<32x768xf32, #tpu.memory_space<hbm>>
    %dma_start3A_15 = arith.constant 0 : i32
    %dma_start3A_16 = tpu.memref_slice %arg2[%dma_start3A_11, %add3A_10, %dma_start3A_15] : memref<1x2048x768xf32, #tpu.memory_space<hbm>> -> memref<1x32x768xf32, #tpu.memory_space<hbm>>
    %dma_start3A_17 = tpu.memref_squeeze %dma_start3A_16 : memref<1x32x768xf32, #tpu.memory_space<hbm>> -> memref<32x768xf32, #tpu.memory_space<hbm>>
    tpu.enqueue_dma source(%dma_start3A_17 : memref<32x768xf32, #tpu.memory_space<hbm>>) target(%arg8 : memref<32x768xf32, #tpu.memory_space<vmem>>) target_semaphore(%arg10 : memref<!tpu.dma_semaphore, #tpu.memory_space<semaphore_mem>>)
    "tpu.region"() ({
      %run_scoped3A = tpu.sem_alloc : memref<!tpu.dma_semaphore, #tpu.memory_space<semaphore_mem>>
      %dma_start3A_45 = tpu.memref_slice %arg3[%mul3A_2] : memref<2048xi32, #tpu.memory_space<hbm>> -> memref<32xi32, #tpu.memory_space<hbm>>
      %dma_start3A_46 = tpu.memref_slice %arg3[%mul3A_2] : memref<2048xi32, #tpu.memory_space<hbm>> -> memref<32xi32, #tpu.memory_space<hbm>>
      tpu.enqueue_dma source(%dma_start3A_46 : memref<32xi32, #tpu.memory_space<hbm>>) target(%arg5 : memref<32xi32, #tpu.memory_space<vmem>>) target_semaphore(%run_scoped3A : memref<!tpu.dma_semaphore, #tpu.memory_space<semaphore_mem>>)
      %dma_wait3A_47 = tpu.memref_slice %arg3[%mul3A_2] : memref<2048xi32, #tpu.memory_space<hbm>> -> memref<32xi32, #tpu.memory_space<hbm>>
      %dma_wait3A_48 = tpu.memref_slice %arg3[%mul3A_2] : memref<2048xi32, #tpu.memory_space<hbm>> -> memref<32xi32, #tpu.memory_space<hbm>>
      tpu.wait_dma2 semaphore(%run_scoped3A : memref<!tpu.dma_semaphore, #tpu.memory_space<semaphore_mem>>) src(%dma_wait3A_48 : memref<32xi32, #tpu.memory_space<hbm>>) dst(%arg5 : memref<32xi32, #tpu.memory_space<vmem>>)
      tpu.yield
    }) : () -> ()
    %add3A_18 = arith.constant 32 : i32
    %add3A_19 = arith.addi %mul3A_2, %add3A_18 : i32
    "tpu.region"() ({
      %run_scoped3A = tpu.sem_alloc : memref<!tpu.dma_semaphore, #tpu.memory_space<semaphore_mem>>
      %dma_start3A_45 = tpu.memref_slice %arg3[%add3A_19] : memref<2048xi32, #tpu.memory_space<hbm>> -> memref<32xi32, #tpu.memory_space<hbm>>
      %dma_start3A_46 = tpu.memref_slice %arg3[%add3A_19] : memref<2048xi32, #tpu.memory_space<hbm>> -> memref<32xi32, #tpu.memory_space<hbm>>
      tpu.enqueue_dma source(%dma_start3A_46 : memref<32xi32, #tpu.memory_space<hbm>>) target(%arg6 : memref<32xi32, #tpu.memory_space<vmem>>) target_semaphore(%run_scoped3A : memref<!tpu.dma_semaphore, #tpu.memory_space<semaphore_mem>>)
      %dma_wait3A_47 = tpu.memref_slice %arg3[%add3A_19] : memref<2048xi32, #tpu.memory_space<hbm>> -> memref<32xi32, #tpu.memory_space<hbm>>
      %dma_wait3A_48 = tpu.memref_slice %arg3[%add3A_19] : memref<2048xi32, #tpu.memory_space<hbm>> -> memref<32xi32, #tpu.memory_space<hbm>>
      tpu.wait_dma2 semaphore(%run_scoped3A : memref<!tpu.dma_semaphore, #tpu.memory_space<semaphore_mem>>) src(%dma_wait3A_48 : memref<32xi32, #tpu.memory_space<hbm>>) dst(%arg6 : memref<32xi32, #tpu.memory_space<vmem>>)
      tpu.yield
    }) : () -> ()
    %dma_wait3A = arith.constant 0 : i32
    %dma_wait3A_20 = arith.constant 0 : i32
    %dma_wait3A_21 = tpu.memref_slice %arg2[%dma_wait3A, %mul3A_2, %dma_wait3A_20] : memref<1x2048x768xf32, #tpu.memory_space<hbm>> -> memref<1x32x768xf32, #tpu.memory_space<hbm>>
    %dma_wait3A_22 = tpu.memref_squeeze %dma_wait3A_21 : memref<1x32x768xf32, #tpu.memory_space<hbm>> -> memref<32x768xf32, #tpu.memory_space<hbm>>
    %dma_wait3A_23 = arith.constant 0 : i32
    %dma_wait3A_24 = tpu.memref_slice %arg2[%dma_wait3A, %mul3A_2, %dma_wait3A_23] : memref<1x2048x768xf32, #tpu.memory_space<hbm>> -> memref<1x32x768xf32, #tpu.memory_space<hbm>>
    %dma_wait3A_25 = tpu.memref_squeeze %dma_wait3A_24 : memref<1x32x768xf32, #tpu.memory_space<hbm>> -> memref<32x768xf32, #tpu.memory_space<hbm>>
    tpu.wait_dma2 semaphore(%arg9 : memref<!tpu.dma_semaphore, #tpu.memory_space<semaphore_mem>>) src(%dma_wait3A_25 : memref<32x768xf32, #tpu.memory_space<hbm>>) dst(%arg7 : memref<32x768xf32, #tpu.memory_space<vmem>>)
    %dma_start3A_26 = arith.constant 0 : i32
    %dma_start3A_27 = arith.constant 0 : i32
    %dma_start3A_28 = tpu.memref_slice %arg4[%dma_start3A_26, %dma_start3A_27] : memref<4480x768xf32, #tpu.memory_space<hbm>> -> memref<4480x768xf32, #tpu.memory_space<hbm>>
    tpu.enqueue_indirect_dma source(%arg7 : memref<32x768xf32, #tpu.memory_space<vmem>>) target(%dma_start3A_28 : memref<4480x768xf32, #tpu.memory_space<hbm>>) offsets(%arg5 : memref<32xi32, #tpu.memory_space<vmem>>) semaphore(%arg11 : memref<!tpu.dma_semaphore, #tpu.memory_space<semaphore_mem>>)
    %dma_wait3A_29 = arith.constant 0 : i32
    %dma_wait3A_30 = arith.constant 0 : i32
    %dma_wait3A_31 = tpu.memref_slice %arg2[%dma_wait3A_29, %add3A_10, %dma_wait3A_30] : memref<1x2048x768xf32, #tpu.memory_space<hbm>> -> memref<1x32x768xf32, #tpu.memory_space<hbm>>
    %dma_wait3A_32 = tpu.memref_squeeze %dma_wait3A_31 : memref<1x32x768xf32, #tpu.memory_space<hbm>> -> memref<32x768xf32, #tpu.memory_space<hbm>>
    %dma_wait3A_33 = arith.constant 0 : i32
    %dma_wait3A_34 = tpu.memref_slice %arg2[%dma_wait3A_29, %add3A_10, %dma_wait3A_33] : memref<1x2048x768xf32, #tpu.memory_space<hbm>> -> memref<1x32x768xf32, #tpu.memory_space<hbm>>
    %dma_wait3A_35 = tpu.memref_squeeze %dma_wait3A_34 : memref<1x32x768xf32, #tpu.memory_space<hbm>> -> memref<32x768xf32, #tpu.memory_space<hbm>>
    tpu.wait_dma2 semaphore(%arg10 : memref<!tpu.dma_semaphore, #tpu.memory_space<semaphore_mem>>) src(%dma_wait3A_35 : memref<32x768xf32, #tpu.memory_space<hbm>>) dst(%arg8 : memref<32x768xf32, #tpu.memory_space<vmem>>)
    %dma_start3A_36 = arith.constant 0 : i32
    %dma_start3A_37 = arith.constant 0 : i32
    %dma_start3A_38 = tpu.memref_slice %arg4[%dma_start3A_36, %dma_start3A_37] : memref<4480x768xf32, #tpu.memory_space<hbm>> -> memref<4480x768xf32, #tpu.memory_space<hbm>>
    tpu.enqueue_indirect_dma source(%arg8 : memref<32x768xf32, #tpu.memory_space<vmem>>) target(%dma_start3A_38 : memref<4480x768xf32, #tpu.memory_space<hbm>>) offsets(%arg6 : memref<32xi32, #tpu.memory_space<vmem>>) semaphore(%arg12 : memref<!tpu.dma_semaphore, #tpu.memory_space<semaphore_mem>>)
    %dma_wait3A_39 = arith.constant 0 : i32
    %dma_wait3A_40 = arith.constant 0 : i32
    %dma_wait3A_41 = tpu.memref_slice %arg4[%dma_wait3A_39, %dma_wait3A_40] : memref<4480x768xf32, #tpu.memory_space<hbm>> -> memref<4480x768xf32, #tpu.memory_space<hbm>>
    tpu.wait_indirect_dma semaphore(%arg11 : memref<!tpu.dma_semaphore, #tpu.memory_space<semaphore_mem>>) src(%arg7 : memref<32x768xf32, #tpu.memory_space<vmem>>) dst(%dma_wait3A_41 : memref<4480x768xf32, #tpu.memory_space<hbm>>)
    %dma_wait3A_42 = arith.constant 0 : i32
    %dma_wait3A_43 = arith.constant 0 : i32
    %dma_wait3A_44 = tpu.memref_slice %arg4[%dma_wait3A_42, %dma_wait3A_43] : memref<4480x768xf32, #tpu.memory_space<hbm>> -> memref<4480x768xf32, #tpu.memory_space<hbm>>
    tpu.wait_indirect_dma semaphore(%arg12 : memref<!tpu.dma_semaphore, #tpu.memory_space<semaphore_mem>>) src(%arg8 : memref<32x768xf32, #tpu.memory_space<vmem>>) dst(%dma_wait3A_44 : memref<4480x768xf32, #tpu.memory_space<hbm>>)
    return
  }
}

module attributes {stable_mosaic.version = 14 : i64} {
  func.func @_route_kernel(%arg0: i32, %arg1: memref<1x512x768xf32, #tpu.memory_space<vmem>>, %arg2: memref<768x8xf32, #tpu.memory_space<vmem>>, %arg3: memref<8x1xf32, #tpu.memory_space<vmem>>, %arg4: memref<1x1x512xi32, #tpu.memory_space<vmem>>, %arg5: memref<8x1xf32, #tpu.memory_space<vmem>>) attributes {dimension_semantics = [#tpu.dimension_semantics<arbitrary>], iteration_bounds = array<i64: 4>, scalar_prefetch = 0 : i64, scratch_operands = 1 : i64, tpu.core_type = #tpu.core_type<tc>, window_params = [{transform_indices = @transform_0, window_bounds = array<i64: 1, 512, 768>}, {pipeline_mode = #tpu.pipeline_mode<synchronous>, transform_indices = @transform_1, window_bounds = array<i64: 768, 8>}, {pipeline_mode = #tpu.pipeline_mode<synchronous>, transform_indices = @transform_2, window_bounds = array<i64: 8, 1>}, {transform_indices = @transform_3, window_bounds = array<i64: 1, 1, 512>}]} {
    %eq3A = arith.constant 0 : i32
    %eq3A_0 = arith.cmpi eq, %arg0, %eq3A : i32
    %convert_element_type3A = arith.extui %eq3A_0 : i1 to i32
    %cond3A = arith.constant 0 : i32
    %cond3A_1 = arith.cmpi ne, %convert_element_type3A, %cond3A : i32
    scf.if %cond3A_1 {
      %broadcast_in_dim3A_70 = arith.constant 0.000000e+00 : f32
      %broadcast_in_dim3A_71 = vector.broadcast %broadcast_in_dim3A_70 : f32 to vector<8x1xf32>
      %swap3A_72 = arith.constant 0 : index
      %swap3A_73 = arith.constant 0 : index
      %swap3A_74 = vector.load %arg5[%swap3A_72, %swap3A_73] : memref<8x1xf32, #tpu.memory_space<vmem>>, vector<8x1xf32>
      tpu.vector_store %arg5[%swap3A_72, %swap3A_73], %broadcast_in_dim3A_71 {strides = array<i32>} : memref<8x1xf32, #tpu.memory_space<vmem>>, vector<8x1xf32>,
    } else {
    }
    %get3A = arith.constant 0 : index
    %get3A_2 = arith.constant 0 : index
    %get3A_3 = arith.constant 0 : index
    %get3A_4 = vector.load %arg1[%get3A, %get3A_2, %get3A_3] : memref<1x512x768xf32, #tpu.memory_space<vmem>>, vector<1x512x768xf32>
    %get3A_5 = vector.shape_cast %get3A_4 : vector<1x512x768xf32> to vector<512x768xf32>
    %get3A_6 = arith.constant 0 : index
    %get3A_7 = arith.constant 0 : index
    %get3A_8 = vector.load %arg2[%get3A_6, %get3A_7] : memref<768x8xf32, #tpu.memory_space<vmem>>, vector<768x8xf32>
    %dot_general3A = arith.constant dense<0.000000e+00> : vector<512x8xf32>
    %dot_general3A_9 = tpu.matmul %get3A_5, %get3A_8, %dot_general3A {dimension_numbers = #tpu.dot_dimension_numbers<[1], [0], [0], [1], [0, 0, 1, 1], [], []>, transpose_lhs_hint = false} : vector<512x768xf32>, vector<768x8xf32>, vector<512x8xf32> -> vector<512x8xf32>
    %transpose3A = tpu.transpose %dot_general3A_9, [1, 0] : vector<512x8xf32> -> vector<8x512xf32>
    %get3A_10 = arith.constant 0 : index
    %get3A_11 = arith.constant 0 : index
    %get3A_12 = vector.load %arg3[%get3A_10, %get3A_11] : memref<8x1xf32, #tpu.memory_space<vmem>>, vector<8x1xf32>
    %add3A = vector.broadcast %get3A_12 : vector<8x1xf32> to vector<8x512xf32>
    %add3A_13 = arith.addf %transpose3A, %add3A : vector<8x512xf32>
    %reduce_max3A = arith.constant dense<0xFF800000> : vector<512xf32>
    %reduce_max3A_14 = vector.multi_reduction <maximumf>, %add3A_13, %reduce_max3A [0] : vector<8x512xf32> to vector<512xf32>
    %broadcast_in_dim3A = vector.shape_cast %reduce_max3A_14 : vector<512xf32> to vector<1x512xf32>
    %sub3A = vector.broadcast %broadcast_in_dim3A : vector<1x512xf32> to vector<8x512xf32>
    %sub3A_15 = arith.subf %add3A_13, %sub3A : vector<8x512xf32>
    %exp3A = math.exp %sub3A_15 : vector<8x512xf32>
    %reduce_sum3A = arith.constant dense<0.000000e+00> : vector<512xf32>
    %reduce_sum3A_16 = vector.multi_reduction <add>, %exp3A, %reduce_sum3A [0] : vector<8x512xf32> to vector<512xf32>
    %broadcast_in_dim3A_17 = vector.shape_cast %reduce_sum3A_16 : vector<512xf32> to vector<1x512xf32>
    %div3A = vector.broadcast %broadcast_in_dim3A_17 : vector<1x512xf32> to vector<8x512xf32>
    %div3A_18 = arith.divf %exp3A, %div3A : vector<8x512xf32>
    %iota3A = tpu.iota {dimensions = array<i32: 0>} : vector<8x512xi32>
    %reduce_max3A_19 = arith.constant dense<0xFF800000> : vector<512xf32>
    %reduce_max3A_20 = vector.multi_reduction <maximumf>, %div3A_18, %reduce_max3A_19 [0] : vector<8x512xf32> to vector<512xf32>
    %broadcast_in_dim3A_21 = vector.shape_cast %reduce_max3A_20 : vector<512xf32> to vector<1x512xf32>
    %eq3A_22 = vector.broadcast %broadcast_in_dim3A_21 : vector<1x512xf32> to vector<8x512xf32>
    %eq3A_23 = arith.cmpf oeq, %div3A_18, %eq3A_22 : vector<8x512xf32>
    %jit3A = arith.constant 8 : i32
    %broadcast_in_dim3A_24 = vector.broadcast %jit3A : i32 to vector<8x512xi32>
    %select_n3A = arith.select %eq3A_23, %iota3A, %broadcast_in_dim3A_24 : vector<8x512xi1>, vector<8x512xi32>
    %reduce_min3A = arith.constant dense<2147483647> : vector<512xi32>
    %reduce_min3A_25 = vector.multi_reduction <minsi>, %select_n3A, %reduce_min3A [0] : vector<8x512xi32> to vector<512xi32>
    %broadcast_in_dim3A_26 = vector.shape_cast %reduce_min3A_25 : vector<512xi32> to vector<1x512xi32>
    %eq3A_27 = vector.broadcast %broadcast_in_dim3A_26 : vector<1x512xi32> to vector<8x512xi32>
    %eq3A_28 = arith.cmpi eq, %iota3A, %eq3A_27 : vector<8x512xi32>
    %convert_element_type3A_29 = arith.extui %eq3A_28 : vector<8x512xi1> to vector<8x512xi32>
    %convert_element_type3A_30 = arith.sitofp %convert_element_type3A_29 : vector<8x512xi32> to vector<8x512xf32>
    %iota3A_31 = tpu.iota {dimensions = array<i32: 0>} : vector<512x512xi32>
    %iota3A_32 = tpu.iota {dimensions = array<i32: 1>} : vector<512x512xi32>
    %le3A = arith.cmpi sle, %iota3A_31, %iota3A_32 : vector<512x512xi32>
    %convert_element_type3A_33 = arith.extui %le3A : vector<512x512xi1> to vector<512x512xi32>
    %convert_element_type3A_34 = arith.sitofp %convert_element_type3A_33 : vector<512x512xi32> to vector<512x512xf32>
    %dot_general3A_35 = arith.constant dense<0.000000e+00> : vector<8x512xf32>
    %dot_general3A_36 = tpu.matmul %convert_element_type3A_30, %convert_element_type3A_34, %dot_general3A_35 {dimension_numbers = #tpu.dot_dimension_numbers<[1], [0], [0], [1], [0, 0, 1, 1], [], []>, transpose_lhs_hint = false} : vector<8x512xf32>, vector<512x512xf32>, vector<8x512xf32> -> vector<8x512xf32>
    %get3A_37 = arith.constant 0 : index
    %get3A_38 = arith.constant 0 : index
    %get3A_39 = vector.load %arg5[%get3A_37, %get3A_38] : memref<8x1xf32, #tpu.memory_space<vmem>>, vector<8x1xf32>
    %add3A_40 = vector.broadcast %get3A_39 : vector<8x1xf32> to vector<8x512xf32>
    %add3A_41 = arith.addf %add3A_40, %dot_general3A_36 : vector<8x512xf32>
    %slice3A = vector.extract_strided_slice %add3A_41 {offsets = [0, 511], sizes = [8, 1], strides = [1, 1]} : vector<8x512xf32> to vector<8x1xf32>
    %swap3A = arith.constant 0 : index
    %swap3A_42 = arith.constant 0 : index
    %swap3A_43 = vector.load %arg5[%swap3A, %swap3A_42] : memref<8x1xf32, #tpu.memory_space<vmem>>, vector<8x1xf32>
    tpu.vector_store %arg5[%swap3A, %swap3A_42], %slice3A {strides = array<i32>} : memref<8x1xf32, #tpu.memory_space<vmem>>, vector<8x1xf32>,
    %mul3A = arith.mulf %add3A_41, %convert_element_type3A_30 : vector<8x512xf32>
    %reduce_sum3A_44 = arith.constant dense<0.000000e+00> : vector<512xf32>
    %reduce_sum3A_45 = vector.multi_reduction <add>, %mul3A, %reduce_sum3A_44 [0] : vector<8x512xf32> to vector<512xf32>
    %broadcast_in_dim3A_46 = vector.shape_cast %reduce_sum3A_45 : vector<512xf32> to vector<1x512xf32>
    %sub3A_47 = arith.constant 1.000000e+00 : f32
    %sub3A_48 = vector.broadcast %sub3A_47 : f32 to vector<1x512xf32>
    %sub3A_49 = arith.subf %broadcast_in_dim3A_46, %sub3A_48 : vector<1x512xf32>
    %convert_element_type3A_50 = arith.fptosi %sub3A_49 : vector<1x512xf32> to vector<1x512xi32>
    %lt3A = arith.constant 300 : i32
    %lt3A_51 = vector.broadcast %lt3A : i32 to vector<1x512xi32>
    %lt3A_52 = arith.cmpi slt, %convert_element_type3A_50, %lt3A_51 : vector<1x512xi32>
    %mul3A_53 = arith.constant 512 : i32
    %mul3A_54 = arith.muli %arg0, %mul3A_53 : i32
    %iota3A_55 = tpu.iota {dimensions = array<i32: 1>} : vector<1x512xi32>
    %add3A_56 = vector.broadcast %mul3A_54 : i32 to vector<1x512xi32>
    %add3A_57 = arith.addi %add3A_56, %iota3A_55 : vector<1x512xi32>
    %mul3A_58 = arith.constant 304 : i32
    %mul3A_59 = vector.broadcast %mul3A_58 : i32 to vector<1x512xi32>
    %mul3A_60 = arith.muli %broadcast_in_dim3A_26, %mul3A_59 : vector<1x512xi32>
    %add3A_61 = arith.addi %mul3A_60, %convert_element_type3A_50 : vector<1x512xi32>
    %add3A_62 = arith.constant 2432 : i32
    %add3A_63 = vector.broadcast %add3A_62 : i32 to vector<1x512xi32>
    %add3A_64 = arith.addi %add3A_63, %add3A_57 : vector<1x512xi32>
    %select_n3A_65 = arith.select %lt3A_52, %add3A_61, %add3A_64 : vector<1x512xi1>, vector<1x512xi32>
    %reshape3A = vector.shape_cast %select_n3A_65 : vector<1x512xi32> to vector<1x1x512xi32>
    %swap3A_66 = arith.constant 0 : index
    %swap3A_67 = arith.constant 0 : index
    %swap3A_68 = arith.constant 0 : index
    %swap3A_69 = vector.load %arg4[%swap3A_66, %swap3A_67, %swap3A_68] : memref<1x1x512xi32, #tpu.memory_space<vmem>>, vector<1x1x512xi32>
    tpu.vector_store %arg4[%swap3A_66, %swap3A_67, %swap3A_68], %reshape3A {strides = array<i32>} : memref<1x1x512xi32, #tpu.memory_space<vmem>>, vector<1x1x512xi32>,
    return
  }
  func.func @transform_0(%arg0: i32) -> (i32, i32, i32) {
    %c0_i32 = arith.constant 0 : i32
    %c0_i32_0 = arith.constant 0 : i32
    %c0_i32_1 = arith.constant 0 : i32
    return %c0_i32, %arg0, %c0_i32_0 : i32, i32, i32
  }
  func.func @transform_1(%arg0: i32) -> (i32, i32) {
    %c0_i32 = arith.constant 0 : i32
    %c0_i32_0 = arith.constant 0 : i32
    %c0_i32_1 = arith.constant 0 : i32
    return %c0_i32, %c0_i32_0 : i32, i32
  }
  func.func @transform_2(%arg0: i32) -> (i32, i32) {
    %c0_i32 = arith.constant 0 : i32
    %c0_i32_0 = arith.constant 0 : i32
    %c0_i32_1 = arith.constant 0 : i32
    return %c0_i32, %c0_i32_0 : i32, i32
  }
  func.func @transform_3(%arg0: i32) -> (i32, i32, i32) {
    %c0_i32 = arith.constant 0 : i32
    %c0_i32_0 = arith.constant 0 : i32
    %c0_i32_1 = arith.constant 0 : i32
    return %arg0, %c0_i32, %c0_i32_0 : i32, i32, i32
  }
}

module attributes {stable_mosaic.version = 14 : i64} {
  func.func @_ffn_kernel(%arg0: i32, %arg1: memref<304x768xf32, #tpu.memory_space<vmem>>, %arg2: memref<1x768x768xf32, #tpu.memory_space<vmem>>, %arg3: memref<1x1x768xf32, #tpu.memory_space<vmem>>, %arg4: memref<304x768xf32, #tpu.memory_space<vmem>>) attributes {dimension_semantics = [#tpu.dimension_semantics<arbitrary>], iteration_bounds = array<i64: 8>, scalar_prefetch = 0 : i64, scratch_operands = 0 : i64, tpu.core_type = #tpu.core_type<tc>, window_params = [{transform_indices = @transform_0, window_bounds = array<i64: 304, 768>}, {transform_indices = @transform_1, window_bounds = array<i64: 1, 768, 768>}, {transform_indices = @transform_2, window_bounds = array<i64: 1, 1, 768>}, {transform_indices = @transform_3, window_bounds = array<i64: 304, 768>}]} {
    %get3A = arith.constant 0 : index
    %get3A_0 = arith.constant 0 : index
    %get3A_1 = vector.load %arg1[%get3A, %get3A_0] : memref<304x768xf32, #tpu.memory_space<vmem>>, vector<304x768xf32>
    %convert_element_type3A = arith.truncf %get3A_1 : vector<304x768xf32> to vector<304x768xbf16>
    %get3A_2 = arith.constant 0 : index
    %get3A_3 = arith.constant 0 : index
    %get3A_4 = arith.constant 0 : index
    %get3A_5 = vector.load %arg2[%get3A_2, %get3A_3, %get3A_4] : memref<1x768x768xf32, #tpu.memory_space<vmem>>, vector<1x768x768xf32>
    %get3A_6 = vector.shape_cast %get3A_5 : vector<1x768x768xf32> to vector<768x768xf32>
    %convert_element_type3A_7 = arith.truncf %get3A_6 : vector<768x768xf32> to vector<768x768xbf16>
    %dot_general3A = arith.constant dense<0.000000e+00> : vector<304x768xf32>
    %dot_general3A_8 = tpu.matmul %convert_element_type3A, %convert_element_type3A_7, %dot_general3A {dimension_numbers = #tpu.dot_dimension_numbers<[1], [0], [0], [1], [0, 0, 1, 1], [], []>, transpose_lhs_hint = false} : vector<304x768xbf16>, vector<768x768xbf16>, vector<304x768xf32> -> vector<304x768xf32>
    %get3A_9 = arith.constant 0 : index
    %get3A_10 = arith.constant 0 : index
    %get3A_11 = arith.constant 0 : index
    %get3A_12 = vector.load %arg3[%get3A_9, %get3A_10, %get3A_11] : memref<1x1x768xf32, #tpu.memory_space<vmem>>, vector<1x1x768xf32>
    %get3A_13 = vector.shape_cast %get3A_12 : vector<1x1x768xf32> to vector<1x768xf32>
    %add3A = vector.broadcast %get3A_13 : vector<1x768xf32> to vector<304x768xf32>
    %add3A_14 = arith.addf %dot_general3A_8, %add3A : vector<304x768xf32>
    %swap3A = arith.constant 0 : index
    %swap3A_15 = arith.constant 0 : index
    %swap3A_16 = vector.load %arg4[%swap3A, %swap3A_15] : memref<304x768xf32, #tpu.memory_space<vmem>>, vector<304x768xf32>
    tpu.vector_store %arg4[%swap3A, %swap3A_15], %add3A_14 {strides = array<i32>} : memref<304x768xf32, #tpu.memory_space<vmem>>, vector<304x768xf32>,
    return
  }
  func.func @transform_0(%arg0: i32) -> (i32, i32) {
    %c0_i32 = arith.constant 0 : i32
    %c0_i32_0 = arith.constant 0 : i32
    return %arg0, %c0_i32 : i32, i32
  }
  func.func @transform_1(%arg0: i32) -> (i32, i32, i32) {
    %c0_i32 = arith.constant 0 : i32
    %c0_i32_0 = arith.constant 0 : i32
    %c0_i32_1 = arith.constant 0 : i32
    return %arg0, %c0_i32, %c0_i32_0 : i32, i32, i32
  }
  func.func @transform_2(%arg0: i32) -> (i32, i32, i32) {
    %c0_i32 = arith.constant 0 : i32
    %c0_i32_0 = arith.constant 0 : i32
    %c0_i32_1 = arith.constant 0 : i32
    return %arg0, %c0_i32, %c0_i32_0 : i32, i32, i32
  }
  func.func @transform_3(%arg0: i32) -> (i32, i32) {
    %c0_i32 = arith.constant 0 : i32
    %c0_i32_0 = arith.constant 0 : i32
    return %arg0, %c0_i32 : i32, i32
  }
}

</mosaic_0001>

<sc_bundles>
// kernel: kernel.6.cloned.1.call-start
scs
__scs_entry_jumppad:
0x0: {  	(pc) =	sbr.rel $0x88, $3  }
0x1: {  	(tag) =	ssettag $0x0;
	lr =	simm.s32 $0x1  }
0x2: {  	[smem:$0x3F9C] =	sst lr;
	_ =	strace $0xD0000000  }
0x3: {  	_ = 	snop  }
0x4: {  	_ = 	snop  }
0x5: {  	_ = 	snop  }
0x6: {  	_ = 	snop  }
0x7: {  	_ = 	snop  }
__scs_overlays_trampoline_lowered:
0x8: {  	[smem:$0x3FAB] =	sst s0  }
0x9: {  	[smem:$0x3FAC] =	sst s1  }
0xa: {  	[smem:$0x3FAD] =	sst s2  }
0xb: {  	[smem:$0x3FAE] =	sst s3  }
0xc: {  	[smem:$0x3FAF] =	sst s4  }
0xd: {  	[smem:$0x3FB0] =	sst s5  }
0xe: {  	[smem:$0x3FB1] =	sst s6  }
0xf: {  	[smem:$0x3FB2] =	sst s7  }
0x10: {  	[smem:$0x3FB3] =	sst s8  }
0x11: {  	[smem:$0x3FB4] =	sst s9;
	s0 =	simm.s32 @!p0 $0x0  }
0x12: {  	s1 =	sld [smem:$0x3F9A];
	s0 =	simm.s32 @p0 $0x1  }
0x13: {  	[smem:$0x3FB5] =	sst s0;
	s0 =	simm.s32 @!p1 $0x0  }
0x14: {  	s2 =	sld [smem:$0x3F99];
	s0 =	simm.s32 @p1 $0x1  }
0x15: {  	[smem:$0x3FB6] =	sst s0;
	s0 =	simm.s32 @!p2 $0x0  }
0x16: {  	s3 =	sld [smem:$0x3FDB];
	s0 =	simm.s32 @p2 $0x1  }
0x17: {  	s4 =	simm.s32 $0x1BF5;
	[smem:$0x3FB8] =	sst s0  }
0x18: {  	s0 =	sld [smem:$0x3F9B];
	_ =	swait.ge [sflag:s4], $0x0  }
0x19: {  	s7 =	sld [smem:$0x3F9C]  }
0x1a: {  	s8 =	sadd.s32 $0xFFFFE003, lr  }
0x1b: {  	s9 =	sadd.s32 $0xFFFFFEF7, lr;
	s5 =	simm.s32 $0xFFFFFFFF;
	p2 =	slt.u32 s8, $0xFFFFF086  }
0x1c: {  	p1 =	slt.u32 s9, $0xF7A;
	s5 =	simm.s32 @!p2 $0x0  }
0x1d: {  	s5 =	simm.s32 @p1 $0x1;
	p0 =	seq.s32 s7, s2  }
0x1e: {  	s7 =	smul.u32 @!p0 $0xF7A, s2;
	p2 =	seq.s32 @!p0 s5, $0x0  }
0x1f: {  	s9 =	smul.u32 $0xF7A, s1;
	s8 =	simm.s32 @!p0 $0x1BF5;
	p2 =	por !p2, p0  }
0x20: {  	[sflag:s8] =	ssyncset.s32 @!p0 $0xFFFFF086;
	s6 =	sadd.s32 @!p0 s3, s7;
	s7 =	simm.s32 @!p0 $0x108  }
0x21: {  	s3 =	sadd.s32 s3, s9;
	s6 =	sadd.s32 @!p0 $0x88, s6;
	s7 =	simm.s32 @p2 $0x1082  }
0x22: {  	[simem:s7], [sflag:s8] =	dma.local @!p0 [hbm:s6], $0xF7A  }
0x23: {  	s9 =	sor.u32 $0xD0000000, s2;
	s6 =	simm.s32 $0x108;
	_ =	swait.ge @!p0 [sflag:s8], $0x0  }
0x24: {  	s3 =	sadd.s32 $0x88, s3;
	s6 =	simm.s32 @!p1 $0x1082;
	[sflag:s4] =	ssyncset.s32 $0xFFFFF086  }
0x25: {  	[simem:s6], [sflag:s4] =	dma.local [hbm:s3], $0xF7A  }
0x26: {  	[smem:$0x3F9C] =	sst s1;
	(tag) =	ssettag s2;
	_ =	strace s9  }
0x27: {  	s1 =	sld [smem:$0x3FAC]  }
0x28: {  	s2 =	sld [smem:$0x3FAD]  }
0x29: {  	s4 =	sld [smem:$0x3FAF]  }
0x2a: {  	p0 =	seq.s32 s5, $0x0;
	s5 =	sld [smem:$0x3FB0]  }
0x2b: {  	s6 =	sld [smem:$0x3FB1]  }
0x2c: {  	s7 =	sld [smem:$0x3FB2]  }
0x2d: {  	s3 =	simm.s32 $0x108;
	s8 =	sld [smem:$0x3FB3]  }
0x2e: {  	s3 =	simm.s32 @!p0 $0x1082;
	s9 =	sld [smem:$0x3FB4]  }
0x2f: {  	lr =	sadd.s32 s0, s3;
	s0 =	sld [smem:$0x3FAB]  }
0x30: {  	s3 =	sld [smem:$0x3FAE]  }
0x31: {  	[smem:$0x3FB7] =	sst s10  }
0x32: {  	s10 =	sld [smem:$0x3FB5];
	_ =	sdelay $0x3  }
0x33: {  	p0 =	seq.s32 s10, $0x1;
	s10 =	sld [smem:$0x3FB7];
	_ =	sdelay $0x3  }
0x34: {  	[smem:$0x3FB7] =	sst s10  }
0x35: {  	s10 =	sld [smem:$0x3FB6];
	_ =	sdelay $0x3  }
0x36: {  	p1 =	seq.s32 s10, $0x1;
	s10 =	sld [smem:$0x3FB7];
	_ =	sdelay $0x3  }
0x37: {  	[smem:$0x3FB7] =	sst s10  }
0x38: {  	s10 =	sld [smem:$0x3FB8]  }
0x39: {  	_ = 	snop;
	(pc) =	sbr.ind lr, $3  }
0x3a: {  	_ = 	snop  }
0x3b: {  	_ = 	snop  }
0x3c: {  	p2 =	seq.s32 s10, $0x1;
	s10 =	sld [smem:$0x3FB7]  }
0x3d: {  	_ =	shalt  }
0x3e: {  	_ =	shalt  }
0x3f: {  	_ =	shalt  }
0x40: {  	_ =	shalt  }
0x41: {  	_ =	shalt  }
0x42: {  	_ =	shalt  }
0x43: {  	_ =	shalt  }
0x44: {  	_ =	shalt  }
0x45: {  	_ =	shalt  }
0x46: {  	_ =	shalt  }
0x47: {  	_ =	shalt  }
0x48: {  	_ =	shalt  }
0x49: {  	_ =	shalt  }
0x4a: {  	_ =	shalt  }
0x4b: {  	_ =	shalt  }
0x4c: {  	_ =	shalt  }
0x4d: {  	_ =	shalt  }
0x4e: {  	_ =	shalt  }
0x4f: {  	_ =	shalt  }
0x50: {  	_ =	shalt  }
0x51: {  	_ =	shalt  }
0x52: {  	_ =	shalt  }
0x53: {  	_ =	shalt  }
0x54: {  	_ =	shalt  }
0x55: {  	_ =	shalt  }
0x56: {  	_ =	shalt  }
0x57: {  	_ =	shalt  }
0x58: {  	_ =	shalt  }
0x59: {  	_ =	shalt  }
0x5a: {  	_ =	shalt  }
0x5b: {  	_ =	shalt  }
0x5c: {  	_ =	shalt  }
0x5d: {  	_ =	shalt  }
0x5e: {  	_ =	shalt  }
0x5f: {  	_ =	shalt  }
0x60: {  	_ =	shalt  }
0x61: {  	_ =	shalt  }
0x62: {  	_ =	shalt  }
0x63: {  	_ =	shalt  }
0x64: {  	_ =	shalt  }
0x65: {  	_ =	shalt  }
0x66: {  	_ =	shalt  }
0x67: {  	_ =	shalt  }
0x68: {  	_ =	shalt  }
0x69: {  	_ =	shalt  }
0x6a: {  	_ =	shalt  }
0x6b: {  	_ =	shalt  }
0x6c: {  	_ =	shalt  }
0x6d: {  	_ =	shalt  }
0x6e: {  	_ =	shalt  }
0x6f: {  	_ =	shalt  }
0x70: {  	_ =	shalt  }
0x71: {  	_ =	shalt  }
0x72: {  	_ =	shalt  }
0x73: {  	_ =	shalt  }
0x74: {  	_ =	shalt  }
0x75: {  	_ =	shalt  }
0x76: {  	_ =	shalt  }
0x77: {  	_ =	shalt  }
0x78: {  	_ =	shalt  }
0x79: {  	_ =	shalt  }
0x7a: {  	_ =	shalt  }
0x7b: {  	_ =	shalt  }
0x7c: {  	_ =	shalt  }
0x7d: {  	_ =	shalt  }
0x7e: {  	_ =	shalt  }
0x7f: {  	_ =	shalt  }
0x80: {  	_ =	shalt  }
0x81: {  	_ =	shalt  }
0x82: {  	_ =	shalt  }
0x83: {  	_ =	shalt  }
0x84: {  	_ =	shalt  }
0x85: {  	_ =	shalt  }
0x86: {  	_ =	shalt  }
0x87: {  	_ =	shalt  }
.Lfunc_end0:
.L_simem_size_0:
called_computation_lowered:
.L_overlay_start_0:
0x88: {  	s2 =	sld [smem:$0x3FD9]  }
0x89: {  	s3 =	sld [smem:$0x3FFE];
	_ =	sdelay $0x1  }
0x8a: {  	s1 =	srdreg.scid  }
0x8b: {  	s0 =	sand.u32 $0x1, s1  }
0x8c: {  	s17 =	sshll.u32 s0, $0xA;
	s2 =	sadd.s32 s3, s2  }
0x8d: {  	s2 =	sadd.s32 s2, s17  }
0x8e: {  	[smem:$0x3FC3] =	sst s2  }
0x8f: {  	_ = 	snop  }
0x90: {  	s2 =	sld [smem:$0x3FC9];
	(tm) =	ssettm $0x1  }
0x91: {  	s18 =	sld [smem:$0x3FFB];
	_ =	sdelay $0x3  }
0x92: {  	_ =	strace s18  }
0x93: {  	s3 =	sld [smem:$0x3FFC];
	_ =	sdelay $0x3  }
0x94: {  	_ =	strace s3  }
0x95: {  	s3 =	sld [smem:$0x3FFD];
	_ =	sdelay $0x3  }
0x96: {  	_ =	strace s3  }
0x97: {  	_ =	strace $0x8FFFFFFF  }
0x98: {  	s19 =	sld [smem:$0x3FDB];
	_ =	sdelay $0x1  }
0x99: {  	s4 =	simm.s32 $_scs_section_size  }
0x9a: {  	s5 =	simm.s32 $_size__tile_overlayer_lowered;
	s6 =	simm.s32 $_tile_overlayer_lowered  }
0x9b: {  	s22 =	simm.s32 $0x1BFF;
	s21 =	sshll.u32 s6, $0x1;
	s3 =	sadd.s32 s4, s19  }
0x9c: {  	s7 =	simm.s32 $0x0;
	s20 =	sshll.u32 s5, $0x1;
	s5 =	sadd.s32 s21, s3  }
0x9d: {  	[timem:s7], [sflag:s22] =	dma.local [hbm:s5], s20  }
0x9e: {  	_ =	swait.ge [sflag:s22], s20  }
0x9f: {  	s4 =	ssub.s32 $0x0, s20;
	[sflag:s22] =	ssyncset.done $0x0  }
0xa0: {  	[sflag:s22] =	ssyncadd.s32 s4;
	_ =	sdelay $0x1  }
0xa1: {  	s23 =	simm.s32 $0x1B8B  }
0xa2: {  	_ =	swait.ge [sflag:s23], $0x1  }
0xa3: {  	[sflag:s23] =	ssyncset.done $0x0  }
0xa4: {  	s25 =	simm.s32 $0x1B8E;
	s24 =	sld [smem:$0x3FFE];
	[sflag:s23] =	ssyncadd.s32 $0xFFFFFFFF  }
0xa5: {  	s26 =	simm.s32 $execute0_lowered;
	[smem:$0x3FD2] =	sst s25  }
0xa6: {  	s5 =	sshll.u32 s26, $0x1;
	_ =	strace $0x80000046;
	[dreg:$0x1] =	wrdreg $0xFFFFFFFF  }
0xa7: {  	s28 =	simm.s32 $_size_execute0_lowered;
	s3 =	sadd.s32 s3, s5;
	[dreg:$0x0] =	wrdreg $0x0  }
0xa8: {  	s5 =	sshll.u32 s28, $0x1;
	[dreg:$0x2] =	wrdreg s3  }
0xa9: {  	[dreg:$0x3] =	wrdreg s5  }
0xaa: {  	[dreg:$0x4] =	wrdreg $0xC0  }
0xab: {  	_ =	task [dreg:s7], $0x5FFFF  }
0xac: {  	[dreg:$0x1] =	wrdreg $0xFFFFFFFF  }
0xad: {  	[dreg:$0x0] =	wrdreg $0x60  }
0xae: {  	[dreg:$0x2] =	wrdreg s2  }
0xaf: {  	[dreg:$0x3] =	wrdreg s24  }
0xb0: {  	[dreg:$0x4] =	wrdreg $0x9  }
0xb1: {  	_ =	task.clear_ibuf [dreg:s7], $0x5FFFF;
	_ =	strace $0x90000046  }
0xb2: {  	s29 =	simm.s32 $0x9;
	_ =	strace $0x80000048  }
0xb3: {  	_ =	swait.ge [sflag:s29], $0x1  }
0xb4: {  	[sflag:s29] =	ssyncadd.s32 $0xFFFFFFFF  }
0xb5: {  	_ =	strace $0x90000048  }
0xb6: {  	_ =	sfence  }
0xb7: {  	s30 =	sld [smem:$0x0];
	_ =	sdelay $0x2  }
0xb8: {  	s31 =	sshll.u32 s1, $0xD;
	s1 =	sshrl.u32 s1, $0x2  }
0xb9: {  	s3 =	sand.u32 $0x4000, s31;
	s1 =	sadd.s32 s1, s30  }
0xba: {  	s0 =	sor.u32 s3, s0;
	s1 =	sshll.u32 s1, $0x11  }
0xbb: {  	s0 =	sor.u32 s1, s0  }
0xbc: {  	s0 =	sadd.s32 $0x8F2B, s0  }
0xbd: {  	[sflag:s0] =	ssyncadd.remote.s32 $0x1  }
0xbe: {  	_ =	sfence.sel $0xFFFF  }
0xbf: {  	[dreg:$0x0] =	wrdreg $0xFFFFFFFF;
	(pc) =	sbr.abs _section_cstart, $3  }
0xc0: {  	[dreg:$0x1] =	wrdreg $0xFFFFFFFF  }
0xc1: {  	_ =	task.clear_ibuf [dreg:s7], $0x2FFFF;
	_ =	strace $0x9FFFFFFF  }
0xc2: {  	(tm) =	ssettm $0x7FFFFFFF  }
0xc3: {  	_ =	shalt  }
tec
execute0_lowered:
.L_overlay_start_1:
0x0: {  	(tag) =	ssettag $0x1  }
0x1: {  	s1 =	srdreg.scid;
	s4 =	rddreg [dreg:$0x0]  }
0x2: {  	s0 =	stileid.u32;
	s5 =	rddreg [dreg:$0x1]  }
0x3: {  	s2 =	simm.s32 $0x0;
	s22 =	simm.s32 $0x80;
	s23 =	simm.s32 $0x900  }
0x4: {  	s24 =	simm.s32 $0x1100;
	s25 =	simm.s32 $0x1900;
	s26 =	simm.s32 $0x2100  }
0x5: {  	s12 =	simm.s32 $0x3100;
	s13 =	simm.s32 $0x3900;
	s14 =	simm.s32 $0x4100  }
0x6: {  	s15 =	simm.s32 $0x4900;
	s16 =	simm.s32 $0x5100;
	s17 =	simm.s32 $0x5900  }
0x7: {  	s18 =	simm.s32 $0x2;
	s28 =	simm.s32 $0xA900;
	[smem:$0x7FF] =	sst s2  }
0x8: {  	s29 =	simm.s32 $0xB100;
	_ =	strace $0x80000047;
	[dreg:$0x7] =	wrdreg s22  }
0x9: {  	s30 =	simm.s32 $0xB900;
	s31 =	simm.s32 $0x3;
	[dreg:$0x8] =	wrdreg s23  }
0xa: {  	s1 =	sand.u32 $0x1, s1;
	s3 =	sshll.u32 s0, $0x4;
	[dreg:$0x9] =	wrdreg s24  }
0xb: {  	s10 =	sadd.s32 $0x1200, s5;
	s6 =	sshll.u32 s1, $0x3;
	[dreg:$0xa] =	wrdreg s25  }
0xc: {  	s1 =	ssub.s32 $0x2, s1;
	[dreg:$0xb] =	wrdreg s26;
	s22 =	simm.s32 $0x8100  }
0xd: {  	s23 =	simm.s32 $0x8900;
	s24 =	simm.s32 $0x9100;
	s25 =	simm.s32 $0x9900  }
0xe: {  	s26 =	simm.s32 $0xA100;
	s6 =	sor.u32 s6, s3;
	s3 =	sadd.s32 $0x1400, s5  }
0xf: {  	s19 =	sshrl.u32 s1, $0x1;
	s7 =	smul.u32 $0x300, s6;
	s8 =	sor.u32 $0x4, s6  }
0x10: {  	s20 =	sadd.s32 s10, s6;
	s1 =	ssub.s32 s1, s19;
	s19 =	simm.s32 $0x6900  }
0x11: {  	s9 =	smul.u32 $0x300, s8;
	[dreg:$0x5] =	wrdreg s20;
	s21 =	sadd.s32 s10, s8  }
0x12: {  	s6 =	smax.u32 s1, $0x1;
	s8 =	simm.s32 $0x6100;
	s10 =	simm.s32 $0x1  }
0x13: {  	s20 =	simm.s32 $0x7100;
	s7 =	sadd.s32 s4, s7;
	[dreg:$0x6] =	wrdreg s21  }
0x14: {  	v2 =	vlaneseq.u32;
	s1 =	simm.s32 $0x4;
	s21 =	simm.s32 $0x7900;
	[dreg:$0x3] =	wrdreg s7  }
0x15: {  	vm0 =	vmmov $0xffff;
	v1 =	vshrl.u32 v2, $0x3;
	s4 =	sadd.s32 s4, s9;
	s7 =	simm.s32 $0x100;
	s9 =	simm.s32 $0x5  }
0x16: {  	v0 =	vand.u32 $0x7, v2;
	v2 =	vor.u32 $0x8, v2;
	v1 =	vmul.u32 $0x8, v1;
	[dreg:$0x4] =	wrdreg s4;
	s4 =	sadd.s32 $0x1500, s5;
	s5 =	sadd.s32 $0x1600, s5  }
.LBB2_1:
0x17: {  	s0 =	rddreg [dreg:$0x3]  }
0x18: {  	[tilespmem:s7], [sflag:$0x1] =	stream.linear.gather [hbm4b:s0+s2], $0x6000, $0x38;
	[tilespmem:$0xC100] =	vst v63  }
0x19: {  	s11 =	rddreg [dreg:$0x4]  }
0x1a: {  	[tilespmem:s8], [sflag:$0x2] =	stream.linear.gather [hbm4b:s11+s2], $0x6000, $0x38;
	[tilespmem:$0xC100] =	vst v63  }
0x1b: {  	s0 =	rddreg [dreg:$0x5]  }
0x1c: {  	[tilespmem:s2], [sflag:$0x5] =	stream.linear.gather [hbm4b:s0+s2], $0x20, $0x38;
	[tilespmem:$0xC100] =	vst v63  }
0x1d: {  	_ =	swait.ge [sflag:s9], $0x20  }
0x1e: {  	s0 =	rddreg [dreg:$0x6];
	[sflag:s9] =	ssyncset.done $0x0  }
0x1f: {  	s11 =	rddreg [dreg:$0x7];
	[sflag:s9] =	ssyncadd.s32 $0xFFFFFFE0  }
0x20: {  	[tilespmem:s11], [sflag:$0x5] =	stream.linear.gather [hbm4b:s0+s2], $0x20, $0x38;
	[tilespmem:$0xC100] =	vst v63  }
0x21: {  	_ =	swait.ge [sflag:s9], $0x20  }
0x22: {  	[sflag:s9] =	ssyncset.done $0x0  }
0x23: {  	[sflag:s9] =	ssyncadd.s32 $0xFFFFFFE0  }
0x24: {  	_ =	swait.ge [sflag:s10], $0x6000  }
0x25: {  	[sflag:s10] =	ssyncset.done $0x0  }
0x26: {  	[sflag:s10] =	ssyncadd.s32 $0xFFFFA000  }
0x27: {  	v3 =	vld [tilespmem:$0x0];
	_ =	sdelay $0x4  }
0x28: {  	v4 =	vshrl.u32 v3, $0x3  }
0x29: {  	v4 =	vmul.u32 $0x30, v4  }
0x2a: {  	v3 =	vand.u32 $0x7, v3  }
0x2b: {  	v3 =	vor.u32 v3, v4  }
0x2c: {  	v4 =	vperm.xlane v3, v0;
	_ =	sdelay $0x1  }
0x2d: {  	v4 =	vadd.s32 v1, v4;
	_ =	sdelay $0x3  }
0x2e: {  	v3 =	vperm.xlane v3, v2  }
0x2f: {  	[hbm4b:s3+s2] =	stream.indirect_vreg.scatter [tilespmem:s7], [sflag:$0x3], $0x80, v4, vm0, $0xb8;
	[tilespmem:$0xC100] =	vst v63  }
0x30: {  	s0 =	rddreg [dreg:$0x8];
	v3 =	vadd.s32 v1, v3  }
0x31: {  	[hbm4b:s4+s2] =	stream.indirect_vreg.scatter [tilespmem:s0], [sflag:$0x3], $0x80, v4, vm0, $0xb8;
	[tilespmem:$0xC100] =	vst v63  }
0x32: {  	s11 =	rddreg [dreg:$0x9]  }
0x33: {  	[hbm4b:s5+s2] =	stream.indirect_vreg.scatter [tilespmem:s11], [sflag:$0x3], $0x80, v4, vm0, $0xb8;
	[tilespmem:$0xC100] =	vst v63  }
0x34: {  	s0 =	rddreg [dreg:$0xa]  }
0x35: {  	[hbm4b:s3+s2] =	stream.indirect_vreg.scatter [tilespmem:s0], [sflag:$0x3], $0x80, v3, vm0, $0xb8;
	[tilespmem:$0xC100] =	vst v63  }
0x36: {  	s11 =	rddreg [dreg:$0xb]  }
0x37: {  	[hbm4b:s4+s2] =	stream.indirect_vreg.scatter [tilespmem:s11], [sflag:$0x3], $0x80, v3, vm0, $0xb8;
	[tilespmem:$0xC100] =	vst v63  }
0x38: {  	s11 =	simm.s32 $0x2900  }
0x39: {  	[hbm4b:s5+s2] =	stream.indirect_vreg.scatter [tilespmem:s11], [sflag:$0x3], $0x80, v3, vm0, $0xb8;
	[tilespmem:$0xC100] =	vst v63  }
0x3a: {  	v3 =	vld [tilespmem:$0x10];
	_ =	sdelay $0x4  }
0x3b: {  	v61 =	vshrl.u32 v3, $0x3  }
0x3c: {  	v4 =	vmul.u32 $0x30, v61  }
0x3d: {  	v3 =	vand.u32 $0x7, v3  }
0x3e: {  	v3 =	vor.u32 v3, v4  }
0x3f: {  	v4 =	vperm.xlane v3, v0;
	_ =	sdelay $0x1  }
0x40: {  	v4 =	vadd.s32 v1, v4;
	_ =	sdelay $0x3  }
0x41: {  	v3 =	vperm.xlane v3, v2  }
0x42: {  	[hbm4b:s3+s2] =	stream.indirect_vreg.scatter [tilespmem:s12], [sflag:$0x3], $0x80, v4, vm0, $0xb8;
	[tilespmem:$0xC100] =	vst v63  }
0x43: {  	v3 =	vadd.s32 v1, v3  }
0x44: {  	[hbm4b:s4+s2] =	stream.indirect_vreg.scatter [tilespmem:s13], [sflag:$0x3], $0x80, v4, vm0, $0xb8;
	[tilespmem:$0xC100] =	vst v63  }
0x45: {  	_ = 	snop  }
0x46: {  	[hbm4b:s5+s2] =	stream.indirect_vreg.scatter [tilespmem:s14], [sflag:$0x3], $0x80, v4, vm0, $0xb8;
	[tilespmem:$0xC100] =	vst v63  }
0x47: {  	_ = 	snop  }
0x48: {  	[hbm4b:s3+s2] =	stream.indirect_vreg.scatter [tilespmem:s15], [sflag:$0x3], $0x80, v3, vm0, $0xb8;
	[tilespmem:$0xC100] =	vst v63  }
0x49: {  	_ = 	snop  }
0x4a: {  	[hbm4b:s4+s2] =	stream.indirect_vreg.scatter [tilespmem:s16], [sflag:$0x3], $0x80, v3, vm0, $0xb8;
	[tilespmem:$0xC100] =	vst v63  }
0x4b: {  	_ = 	snop  }
0x4c: {  	[hbm4b:s5+s2] =	stream.indirect_vreg.scatter [tilespmem:s17], [sflag:$0x3], $0x80, v3, vm0, $0xb8;
	[tilespmem:$0xC100] =	vst v63  }
0x4d: {  	_ =	swait.ge [sflag:s18], $0x6000  }
0x4e: {  	[sflag:s18] =	ssyncset.done $0x0  }
0x4f: {  	[sflag:s18] =	ssyncadd.s32 $0xFFFFA000  }
0x50: {  	v3 =	vld [tilespmem:$0x80];
	_ =	sdelay $0x4  }
0x51: {  	v62 =	vshrl.u32 v3, $0x3  }
0x52: {  	v4 =	vmul.u32 $0x30, v62  }
0x53: {  	v3 =	vand.u32 $0x7, v3  }
0x54: {  	v3 =	vor.u32 v3, v4  }
0x55: {  	v4 =	vperm.xlane v3, v0;
	_ =	sdelay $0x1  }
0x56: {  	v4 =	vadd.s32 v1, v4;
	_ =	sdelay $0x3  }
0x57: {  	v3 =	vperm.xlane v3, v2  }
0x58: {  	[hbm4b:s3+s2] =	stream.indirect_vreg.scatter [tilespmem:s8], [sflag:$0x4], $0x80, v4, vm0, $0xb8;
	[tilespmem:$0xC100] =	vst v63  }
0x59: {  	v3 =	vadd.s32 v1, v3  }
0x5a: {  	[hbm4b:s4+s2] =	stream.indirect_vreg.scatter [tilespmem:s19], [sflag:$0x4], $0x80, v4, vm0, $0xb8;
	[tilespmem:$0xC100] =	vst v63  }
0x5b: {  	_ = 	snop  }
0x5c: {  	[hbm4b:s5+s2] =	stream.indirect_vreg.scatter [tilespmem:s20], [sflag:$0x4], $0x80, v4, vm0, $0xb8;
	[tilespmem:$0xC100] =	vst v63  }
0x5d: {  	_ = 	snop  }
0x5e: {  	[hbm4b:s3+s2] =	stream.indirect_vreg.scatter [tilespmem:s21], [sflag:$0x4], $0x80, v3, vm0, $0xb8;
	[tilespmem:$0xC100] =	vst v63  }
0x5f: {  	_ = 	snop  }
0x60: {  	[hbm4b:s4+s2] =	stream.indirect_vreg.scatter [tilespmem:s22], [sflag:$0x4], $0x80, v3, vm0, $0xb8;
	[tilespmem:$0xC100] =	vst v63  }
0x61: {  	_ = 	snop  }
0x62: {  	[hbm4b:s5+s2] =	stream.indirect_vreg.scatter [tilespmem:s23], [sflag:$0x4], $0x80, v3, vm0, $0xb8;
	[tilespmem:$0xC100] =	vst v63  }
0x63: {  	v3 =	vld [tilespmem:$0x90];
	_ =	sdelay $0x4  }
0x64: {  	v63 =	vshrl.u32 v3, $0x3  }
0x65: {  	v4 =	vmul.u32 $0x30, v63  }
0x66: {  	v3 =	vand.u32 $0x7, v3  }
0x67: {  	v3 =	vor.u32 v3, v4  }
0x68: {  	v4 =	vperm.xlane v3, v0;
	_ =	sdelay $0x1  }
0x69: {  	v4 =	vadd.s32 v1, v4;
	_ =	sdelay $0x3  }
0x6a: {  	v3 =	vperm.xlane v3, v2  }
0x6b: {  	[hbm4b:s3+s2] =	stream.indirect_vreg.scatter [tilespmem:s24], [sflag:$0x4], $0x80, v4, vm0, $0xb8;
	[tilespmem:$0xC100] =	vst v63  }
0x6c: {  	v3 =	vadd.s32 v1, v3  }
0x6d: {  	[hbm4b:s4+s2] =	stream.indirect_vreg.scatter [tilespmem:s25], [sflag:$0x4], $0x80, v4, vm0, $0xb8;
	[tilespmem:$0xC100] =	vst v63  }
0x6e: {  	_ = 	snop  }
0x6f: {  	[hbm4b:s5+s2] =	stream.indirect_vreg.scatter [tilespmem:s26], [sflag:$0x4], $0x80, v4, vm0, $0xb8;
	[tilespmem:$0xC100] =	vst v63  }
0x70: {  	_ = 	snop  }
0x71: {  	[hbm4b:s3+s2] =	stream.indirect_vreg.scatter [tilespmem:s28], [sflag:$0x4], $0x80, v3, vm0, $0xb8;
	[tilespmem:$0xC100] =	vst v63  }
0x72: {  	_ = 	snop  }
0x73: {  	[hbm4b:s4+s2] =	stream.indirect_vreg.scatter [tilespmem:s29], [sflag:$0x4], $0x80, v3, vm0, $0xb8;
	[tilespmem:$0xC100] =	vst v63  }
0x74: {  	_ = 	snop  }
0x75: {  	[hbm4b:s5+s2] =	stream.indirect_vreg.scatter [tilespmem:s30], [sflag:$0x4], $0x80, v3, vm0, $0xb8;
	[tilespmem:$0xC100] =	vst v63  }
0x76: {  	p0 =	sne.s32 s6, $0x1;
	_ =	swait.ge [sflag:s31], $0x6000  }
.Ltmp0:
0x77: {  	[sflag:s31] =	ssyncset.done $0x0;
	(pc) =	sbr.rel @p0 .LBB2_1-.Ltmp0, $4  }
0x78: {  	[sflag:s31] =	ssyncadd.s32 $0xFFFFA000  }
0x79: {  	_ =	swait.ge [sflag:s1], $0x6000  }
0x7a: {  	[sflag:s1] =	ssyncset.done $0x0  }
0x7b: {  	s6 =	sadd.s32 $0xFFFFFFFF, s6;
	[sflag:s1] =	ssyncadd.s32 $0xFFFFA000  }
0x7c: {  	_ =	sfence.sel $0x180000  }
0x7d: {  	[bflag:$0x0] =	sbarrier.arrive $0xFFFF  }
0x7e: {  	_ =	strace $0x90000047  }
0x7f: {  	s0 =	stileid.u32;
	[bflag:$0x2] =	sbarrier.arrive $0xFFFF  }
0x80: {  	p0 =	sne.s32 s0, $0x0;
	s0 =	rddreg [dreg:$0x2]  }
0x81: {  	s0 =	sadd.s32 @!p0 $0x100000, s0  }
0x82: {  	[sflag:s0] =	ssyncadd.tile.s32 @!p0 $0x1;
	_ =	shalt  }
.Lfunc_end2:
_tile_overlayer_lowered:
.L_overlay_start_2:
0x83: {  	(tag) =	ssettag $0x2  }
0x84: {  	s0 =	rddreg [dreg:$0x0];
	s2 =	stileid.u32  }
0x85: {  	s1 =	rddreg [dreg:$0x1];
	p0 =	sne.s32 s2, $0x0  }
0x86: {  	s3 =	rddreg [dreg:$0x2];
	[bflag:$0x3] =	sbarrier.arrive $0xFFFF;
	s2 =	simm.s32 @!p0 $0x1C05  }
0x87: {  	[timem:s3], [sflag:s2] =	dma.local @!p0 [hbm:s0], s1  }
0x88: {  	s0 =	simm.s32 @!p0 $0x5  }
0x89: {  	_ =	swait.ge @!p0 [sflag:s0], s1  }
0x8a: {  	s1 =	ssub.s32 @!p0 $0x0, s1;
	[sflag:s0] =	ssyncset.done @!p0 $0x0  }
0x8b: {  	[sflag:s0] =	ssyncadd.s32 @!p0 s1  }
0x8c: {  	[bflag:$0x3] =	sbarrier.arrive $0xFFFF  }
0x8d: {  	_ =	shalt  }

// kernel: kernel.9.cloned.1.call-start
scs
__scs_entry_jumppad:
0x0: {  	(pc) =	sbr.rel $0x88, $3  }
0x1: {  	(tag) =	ssettag $0x0;
	lr =	simm.s32 $0x1  }
0x2: {  	[smem:$0x3F9C] =	sst lr;
	_ =	strace $0xD0000000  }
0x3: {  	_ = 	snop  }
0x4: {  	_ = 	snop  }
0x5: {  	_ = 	snop  }
0x6: {  	_ = 	snop  }
0x7: {  	_ = 	snop  }
__scs_overlays_trampoline_lowered:
0x8: {  	[smem:$0x3FAB] =	sst s0  }
0x9: {  	[smem:$0x3FAC] =	sst s1  }
0xa: {  	[smem:$0x3FAD] =	sst s2  }
0xb: {  	[smem:$0x3FAE] =	sst s3  }
0xc: {  	[smem:$0x3FAF] =	sst s4  }
0xd: {  	[smem:$0x3FB0] =	sst s5  }
0xe: {  	[smem:$0x3FB1] =	sst s6  }
0xf: {  	[smem:$0x3FB2] =	sst s7  }
0x10: {  	[smem:$0x3FB3] =	sst s8  }
0x11: {  	[smem:$0x3FB4] =	sst s9;
	s0 =	simm.s32 @!p0 $0x0  }
0x12: {  	s1 =	sld [smem:$0x3F9A];
	s0 =	simm.s32 @p0 $0x1  }
0x13: {  	[smem:$0x3FB5] =	sst s0;
	s0 =	simm.s32 @!p1 $0x0  }
0x14: {  	s2 =	sld [smem:$0x3F99];
	s0 =	simm.s32 @p1 $0x1  }
0x15: {  	[smem:$0x3FB6] =	sst s0;
	s0 =	simm.s32 @!p2 $0x0  }
0x16: {  	s3 =	sld [smem:$0x3FDB];
	s0 =	simm.s32 @p2 $0x1  }
0x17: {  	s4 =	simm.s32 $0x1BF5;
	[smem:$0x3FB8] =	sst s0  }
0x18: {  	s0 =	sld [smem:$0x3F9B];
	_ =	swait.ge [sflag:s4], $0x0  }
0x19: {  	s7 =	sld [smem:$0x3F9C]  }
0x1a: {  	s8 =	sadd.s32 $0xFFFFE003, lr  }
0x1b: {  	s9 =	sadd.s32 $0xFFFFFEF7, lr;
	s5 =	simm.s32 $0xFFFFFFFF;
	p2 =	slt.u32 s8, $0xFFFFF086  }
0x1c: {  	p1 =	slt.u32 s9, $0xF7A;
	s5 =	simm.s32 @!p2 $0x0  }
0x1d: {  	s5 =	simm.s32 @p1 $0x1;
	p0 =	seq.s32 s7, s2  }
0x1e: {  	s7 =	smul.u32 @!p0 $0xF7A, s2;
	p2 =	seq.s32 @!p0 s5, $0x0  }
0x1f: {  	s9 =	smul.u32 $0xF7A, s1;
	s8 =	simm.s32 @!p0 $0x1BF5;
	p2 =	por !p2, p0  }
0x20: {  	[sflag:s8] =	ssyncset.s32 @!p0 $0xFFFFF086;
	s6 =	sadd.s32 @!p0 s3, s7;
	s7 =	simm.s32 @!p0 $0x108  }
0x21: {  	s3 =	sadd.s32 s3, s9;
	s6 =	sadd.s32 @!p0 $0x88, s6;
	s7 =	simm.s32 @p2 $0x1082  }
0x22: {  	[simem:s7], [sflag:s8] =	dma.local @!p0 [hbm:s6], $0xF7A  }
0x23: {  	s9 =	sor.u32 $0xD0000000, s2;
	s6 =	simm.s32 $0x108;
	_ =	swait.ge @!p0 [sflag:s8], $0x0  }
0x24: {  	s3 =	sadd.s32 $0x88, s3;
	s6 =	simm.s32 @!p1 $0x1082;
	[sflag:s4] =	ssyncset.s32 $0xFFFFF086  }
0x25: {  	[simem:s6], [sflag:s4] =	dma.local [hbm:s3], $0xF7A  }
0x26: {  	[smem:$0x3F9C] =	sst s1;
	(tag) =	ssettag s2;
	_ =	strace s9  }
0x27: {  	s1 =	sld [smem:$0x3FAC]  }
0x28: {  	s2 =	sld [smem:$0x3FAD]  }
0x29: {  	s4 =	sld [smem:$0x3FAF]  }
0x2a: {  	p0 =	seq.s32 s5, $0x0;
	s5 =	sld [smem:$0x3FB0]  }
0x2b: {  	s6 =	sld [smem:$0x3FB1]  }
0x2c: {  	s7 =	sld [smem:$0x3FB2]  }
0x2d: {  	s3 =	simm.s32 $0x108;
	s8 =	sld [smem:$0x3FB3]  }
0x2e: {  	s3 =	simm.s32 @!p0 $0x1082;
	s9 =	sld [smem:$0x3FB4]  }
0x2f: {  	lr =	sadd.s32 s0, s3;
	s0 =	sld [smem:$0x3FAB]  }
0x30: {  	s3 =	sld [smem:$0x3FAE]  }
0x31: {  	[smem:$0x3FB7] =	sst s10  }
0x32: {  	s10 =	sld [smem:$0x3FB5];
	_ =	sdelay $0x3  }
0x33: {  	p0 =	seq.s32 s10, $0x1;
	s10 =	sld [smem:$0x3FB7];
	_ =	sdelay $0x3  }
0x34: {  	[smem:$0x3FB7] =	sst s10  }
0x35: {  	s10 =	sld [smem:$0x3FB6];
	_ =	sdelay $0x3  }
0x36: {  	p1 =	seq.s32 s10, $0x1;
	s10 =	sld [smem:$0x3FB7];
	_ =	sdelay $0x3  }
0x37: {  	[smem:$0x3FB7] =	sst s10  }
0x38: {  	s10 =	sld [smem:$0x3FB8]  }
0x39: {  	_ = 	snop;
	(pc) =	sbr.ind lr, $3  }
0x3a: {  	_ = 	snop  }
0x3b: {  	_ = 	snop  }
0x3c: {  	p2 =	seq.s32 s10, $0x1;
	s10 =	sld [smem:$0x3FB7]  }
0x3d: {  	_ =	shalt  }
0x3e: {  	_ =	shalt  }
0x3f: {  	_ =	shalt  }
0x40: {  	_ =	shalt  }
0x41: {  	_ =	shalt  }
0x42: {  	_ =	shalt  }
0x43: {  	_ =	shalt  }
0x44: {  	_ =	shalt  }
0x45: {  	_ =	shalt  }
0x46: {  	_ =	shalt  }
0x47: {  	_ =	shalt  }
0x48: {  	_ =	shalt  }
0x49: {  	_ =	shalt  }
0x4a: {  	_ =	shalt  }
0x4b: {  	_ =	shalt  }
0x4c: {  	_ =	shalt  }
0x4d: {  	_ =	shalt  }
0x4e: {  	_ =	shalt  }
0x4f: {  	_ =	shalt  }
0x50: {  	_ =	shalt  }
0x51: {  	_ =	shalt  }
0x52: {  	_ =	shalt  }
0x53: {  	_ =	shalt  }
0x54: {  	_ =	shalt  }
0x55: {  	_ =	shalt  }
0x56: {  	_ =	shalt  }
0x57: {  	_ =	shalt  }
0x58: {  	_ =	shalt  }
0x59: {  	_ =	shalt  }
0x5a: {  	_ =	shalt  }
0x5b: {  	_ =	shalt  }
0x5c: {  	_ =	shalt  }
0x5d: {  	_ =	shalt  }
0x5e: {  	_ =	shalt  }
0x5f: {  	_ =	shalt  }
0x60: {  	_ =	shalt  }
0x61: {  	_ =	shalt  }
0x62: {  	_ =	shalt  }
0x63: {  	_ =	shalt  }
0x64: {  	_ =	shalt  }
0x65: {  	_ =	shalt  }
0x66: {  	_ =	shalt  }
0x67: {  	_ =	shalt  }
0x68: {  	_ =	shalt  }
0x69: {  	_ =	shalt  }
0x6a: {  	_ =	shalt  }
0x6b: {  	_ =	shalt  }
0x6c: {  	_ =	shalt  }
0x6d: {  	_ =	shalt  }
0x6e: {  	_ =	shalt  }
0x6f: {  	_ =	shalt  }
0x70: {  	_ =	shalt  }
0x71: {  	_ =	shalt  }
0x72: {  	_ =	shalt  }
0x73: {  	_ =	shalt  }
0x74: {  	_ =	shalt  }
0x75: {  	_ =	shalt  }
0x76: {  	_ =	shalt  }
0x77: {  	_ =	shalt  }
0x78: {  	_ =	shalt  }
0x79: {  	_ =	shalt  }
0x7a: {  	_ =	shalt  }
0x7b: {  	_ =	shalt  }
0x7c: {  	_ =	shalt  }
0x7d: {  	_ =	shalt  }
0x7e: {  	_ =	shalt  }
0x7f: {  	_ =	shalt  }
0x80: {  	_ =	shalt  }
0x81: {  	_ =	shalt  }
0x82: {  	_ =	shalt  }
0x83: {  	_ =	shalt  }
0x84: {  	_ =	shalt  }
0x85: {  	_ =	shalt  }
0x86: {  	_ =	shalt  }
0x87: {  	_ =	shalt  }
.Lfunc_end0:
.L_simem_size_0:
called_computation.1_lowered:
.L_overlay_start_0:
0x88: {  	s2 =	sld [smem:$0x3FD9]  }
0x89: {  	s3 =	sld [smem:$0x3FFE];
	_ =	sdelay $0x1  }
0x8a: {  	s1 =	srdreg.scid  }
0x8b: {  	s0 =	sand.u32 $0x1, s1  }
0x8c: {  	s17 =	sshll.u32 s0, $0xA;
	s2 =	sadd.s32 s3, s2  }
0x8d: {  	s2 =	sadd.s32 s2, s17  }
0x8e: {  	[smem:$0x3FC3] =	sst s2  }
0x8f: {  	_ = 	snop  }
0x90: {  	s2 =	sld [smem:$0x3FD0];
	(tm) =	ssettm $0x1  }
0x91: {  	s18 =	sld [smem:$0x3FFB];
	_ =	sdelay $0x3  }
0x92: {  	_ =	strace s18  }
0x93: {  	s3 =	sld [smem:$0x3FFC];
	_ =	sdelay $0x3  }
0x94: {  	_ =	strace s3  }
0x95: {  	s3 =	sld [smem:$0x3FFD];
	_ =	sdelay $0x3  }
0x96: {  	_ =	strace s3  }
0x97: {  	_ =	strace $0x8FFFFFFF  }
0x98: {  	s19 =	sld [smem:$0x3FDB];
	_ =	sdelay $0x1  }
0x99: {  	s4 =	simm.s32 $_scs_section_size  }
0x9a: {  	s5 =	simm.s32 $_size__tile_overlayer_lowered;
	s6 =	simm.s32 $_tile_overlayer_lowered  }
0x9b: {  	s22 =	simm.s32 $0x1BFF;
	s21 =	sshll.u32 s6, $0x1;
	s3 =	sadd.s32 s4, s19  }
0x9c: {  	s7 =	simm.s32 $0x0;
	s20 =	sshll.u32 s5, $0x1;
	s5 =	sadd.s32 s21, s3  }
0x9d: {  	[timem:s7], [sflag:s22] =	dma.local [hbm:s5], s20  }
0x9e: {  	_ =	swait.ge [sflag:s22], s20  }
0x9f: {  	s4 =	ssub.s32 $0x0, s20;
	[sflag:s22] =	ssyncset.done $0x0  }
0xa0: {  	[sflag:s22] =	ssyncadd.s32 s4;
	_ =	sdelay $0x1  }
0xa1: {  	s23 =	simm.s32 $0x1B8B  }
0xa2: {  	_ =	swait.ge [sflag:s23], $0x1  }
0xa3: {  	[sflag:s23] =	ssyncset.done $0x0  }
0xa4: {  	s25 =	simm.s32 $0x1B8E;
	s24 =	sld [smem:$0x3FFE];
	[sflag:s23] =	ssyncadd.s32 $0xFFFFFFFF  }
0xa5: {  	s26 =	simm.s32 $execute0_lowered;
	[smem:$0x3FD2] =	sst s25  }
0xa6: {  	s5 =	sshll.u32 s26, $0x1;
	_ =	strace $0x80000049;
	[dreg:$0x1] =	wrdreg $0xFFFFFFFF  }
0xa7: {  	s28 =	simm.s32 $_size_execute0_lowered;
	s3 =	sadd.s32 s3, s5;
	[dreg:$0x0] =	wrdreg $0x0  }
0xa8: {  	s5 =	sshll.u32 s28, $0x1;
	[dreg:$0x2] =	wrdreg s3  }
0xa9: {  	[dreg:$0x3] =	wrdreg s5  }
0xaa: {  	[dreg:$0x4] =	wrdreg $0xC0  }
0xab: {  	_ =	task [dreg:s7], $0x5FFFF  }
0xac: {  	[dreg:$0x1] =	wrdreg $0xFFFFFFFF  }
0xad: {  	[dreg:$0x0] =	wrdreg $0x60  }
0xae: {  	[dreg:$0x2] =	wrdreg s24  }
0xaf: {  	[dreg:$0x3] =	wrdreg s2  }
0xb0: {  	[dreg:$0x4] =	wrdreg $0x9  }
0xb1: {  	_ =	task.clear_ibuf [dreg:s7], $0x5FFFF;
	_ =	strace $0x90000049  }
0xb2: {  	s29 =	simm.s32 $0x9;
	_ =	strace $0x8000004B  }
0xb3: {  	_ =	swait.ge [sflag:s29], $0x1  }
0xb4: {  	[sflag:s29] =	ssyncadd.s32 $0xFFFFFFFF  }
0xb5: {  	_ =	strace $0x9000004B  }
0xb6: {  	_ =	sfence  }
0xb7: {  	s30 =	sld [smem:$0x0];
	_ =	sdelay $0x2  }
0xb8: {  	s31 =	sshll.u32 s1, $0xD;
	s1 =	sshrl.u32 s1, $0x2  }
0xb9: {  	s3 =	sand.u32 $0x4000, s31;
	s1 =	sadd.s32 s1, s30  }
0xba: {  	s0 =	sor.u32 s3, s0;
	s1 =	sshll.u32 s1, $0x11  }
0xbb: {  	s0 =	sor.u32 s1, s0  }
0xbc: {  	s0 =	sadd.s32 $0x8F2B, s0  }
0xbd: {  	[sflag:s0] =	ssyncadd.remote.s32 $0x1  }
0xbe: {  	_ =	sfence.sel $0xFFFF  }
0xbf: {  	[dreg:$0x0] =	wrdreg $0xFFFFFFFF;
	(pc) =	sbr.abs _section_cstart, $3  }
0xc0: {  	[dreg:$0x1] =	wrdreg $0xFFFFFFFF  }
0xc1: {  	_ =	task.clear_ibuf [dreg:s7], $0x2FFFF;
	_ =	strace $0x9FFFFFFF  }
0xc2: {  	(tm) =	ssettm $0x7FFFFFFF  }
0xc3: {  	_ =	shalt  }
tec
execute0_lowered:
.L_overlay_start_1:
0x0: {  	(tag) =	ssettag $0x1  }
0x1: {  	s0 =	rddreg [dreg:$0x0]  }
0x2: {  	s4 =	rddreg [dreg:$0x1];
	s2 =	simm.s32 $0x0;
	s3 =	srdreg.scid  }
0x3: {  	s1 =	stileid.u32;
	s22 =	simm.s32 $0x80;
	s23 =	simm.s32 $0x900  }
0x4: {  	s24 =	simm.s32 $0x1100;
	s25 =	simm.s32 $0x1900;
	s26 =	simm.s32 $0x2100  }
0x5: {  	s10 =	simm.s32 $0x3100;
	s11 =	simm.s32 $0x3900;
	s12 =	simm.s32 $0x4100  }
0x6: {  	s13 =	simm.s32 $0x4900;
	s14 =	simm.s32 $0x5100;
	s15 =	simm.s32 $0x5900  }
0x7: {  	s16 =	simm.s32 $0x6100;
	s28 =	simm.s32 $0xB900;
	[smem:$0x7FF] =	sst s2  }
0x8: {  	s29 =	simm.s32 $0x1;
	_ =	strace $0x8000004A;
	[dreg:$0x7] =	wrdreg s22  }
0x9: {  	s30 =	simm.s32 $0x2;
	s31 =	simm.s32 $0x3;
	[dreg:$0x8] =	wrdreg s23  }
0xa: {  	s5 =	sand.u32 $0x1, s3;
	s3 =	sadd.s32 $0x1400, s0;
	[dreg:$0x9] =	wrdreg s24  }
0xb: {  	s6 =	sshll.u32 s1, $0x4;
	s8 =	sadd.s32 $0x1200, s0;
	[dreg:$0xa] =	wrdreg s25  }
0xc: {  	s7 =	sshll.u32 s5, $0x3;
	s5 =	ssub.s32 $0x2, s5;
	[dreg:$0xb] =	wrdreg s26  }
0xd: {  	s22 =	simm.s32 $0x9100;
	s23 =	simm.s32 $0x9900;
	s24 =	simm.s32 $0xA100  }
0xe: {  	s25 =	simm.s32 $0xA900;
	s26 =	simm.s32 $0xB100;
	s6 =	sor.u32 s7, s6  }
0xf: {  	s19 =	sshrl.u32 s5, $0x1;
	s7 =	sadd.s32 s8, s6;
	s9 =	sor.u32 $0x4, s6  }
0x10: {  	s6 =	smul.u32 $0x300, s6;
	s20 =	ssub.s32 s5, s19;
	s5 =	sadd.s32 $0x1600, s0  }
0x11: {  	s19 =	simm.s32 $0x7900;
	[dreg:$0x3] =	wrdreg s7;
	s17 =	sadd.s32 s8, s9  }
0x12: {  	s18 =	smul.u32 $0x300, s9;
	s7 =	simm.s32 $0x5;
	s8 =	simm.s32 $0x100  }
0x13: {  	[dreg:$0x4] =	wrdreg s17;
	s6 =	sadd.s32 s4, s6;
	s17 =	simm.s32 $0x6900  }
0x14: {  	v2 =	vlaneseq.u32;
	[dreg:$0x5] =	wrdreg s6;
	s21 =	sadd.s32 s4, s18;
	s4 =	sadd.s32 $0x1500, s0  }
0x15: {  	vm0 =	vmmov $0xffff;
	v1 =	vshrl.u32 v2, $0x3;
	s6 =	smax.u32 s20, $0x1;
	s18 =	simm.s32 $0x7100;
	s20 =	simm.s32 $0x8100  }
0x16: {  	v0 =	vand.u32 $0x7, v2;
	v2 =	vor.u32 $0x8, v2;
	v1 =	vmul.u32 $0x8, v1;
	s0 =	simm.s32 $0x4;
	[dreg:$0x6] =	wrdreg s21;
	s21 =	simm.s32 $0x8900  }
.LBB2_1:
0x17: {  	s1 =	rddreg [dreg:$0x3]  }
0x18: {  	[tilespmem:s2], [sflag:$0x5] =	stream.linear.gather [hbm4b:s1+s2], $0x20, $0x38;
	[tilespmem:$0xC100] =	vst v63  }
0x19: {  	_ =	swait.ge [sflag:s7], $0x20  }
0x1a: {  	s1 =	rddreg [dreg:$0x4];
	[sflag:s7] =	ssyncset.done $0x0  }
0x1b: {  	s9 =	rddreg [dreg:$0x7];
	[sflag:s7] =	ssyncadd.s32 $0xFFFFFFE0  }
0x1c: {  	[tilespmem:s9], [sflag:$0x5] =	stream.linear.gather [hbm4b:s1+s2], $0x20, $0x38;
	[tilespmem:$0xC100] =	vst v63  }
0x1d: {  	_ =	swait.ge [sflag:s7], $0x20  }
0x1e: {  	[sflag:s7] =	ssyncset.done $0x0  }
0x1f: {  	[sflag:s7] =	ssyncadd.s32 $0xFFFFFFE0  }
0x20: {  	v3 =	vld [tilespmem:$0x0];
	_ =	sdelay $0x4  }
0x21: {  	v4 =	vshrl.u32 v3, $0x3  }
0x22: {  	v4 =	vmul.u32 $0x30, v4  }
0x23: {  	v3 =	vand.u32 $0x7, v3  }
0x24: {  	v3 =	vor.u32 v3, v4  }
0x25: {  	v4 =	vperm.xlane v3, v0;
	_ =	sdelay $0x1  }
0x26: {  	v4 =	vadd.s32 v1, v4;
	_ =	sdelay $0x3  }
0x27: {  	v3 =	vperm.xlane v3, v2  }
0x28: {  	[tilespmem:s8], [sflag:$0x1] =	stream.indirect_vreg.gather [hbm4b:s3+s2], $0x80, v4, vm0, $0xb8;
	[tilespmem:$0xC100] =	vst v63  }
0x29: {  	s1 =	rddreg [dreg:$0x8];
	v3 =	vadd.s32 v1, v3  }
0x2a: {  	[tilespmem:s1], [sflag:$0x1] =	stream.indirect_vreg.gather [hbm4b:s4+s2], $0x80, v4, vm0, $0xb8;
	[tilespmem:$0xC100] =	vst v63  }
0x2b: {  	s9 =	rddreg [dreg:$0x9]  }
0x2c: {  	[tilespmem:s9], [sflag:$0x1] =	stream.indirect_vreg.gather [hbm4b:s5+s2], $0x80, v4, vm0, $0xb8;
	[tilespmem:$0xC100] =	vst v63  }
0x2d: {  	s1 =	rddreg [dreg:$0xa]  }
0x2e: {  	[tilespmem:s1], [sflag:$0x1] =	stream.indirect_vreg.gather [hbm4b:s3+s2], $0x80, v3, vm0, $0xb8;
	[tilespmem:$0xC100] =	vst v63  }
0x2f: {  	s9 =	rddreg [dreg:$0xb]  }
0x30: {  	[tilespmem:s9], [sflag:$0x1] =	stream.indirect_vreg.gather [hbm4b:s4+s2], $0x80, v3, vm0, $0xb8;
	[tilespmem:$0xC100] =	vst v63  }
0x31: {  	s9 =	simm.s32 $0x2900  }
0x32: {  	[tilespmem:s9], [sflag:$0x1] =	stream.indirect_vreg.gather [hbm4b:s5+s2], $0x80, v3, vm0, $0xb8;
	[tilespmem:$0xC100] =	vst v63  }
0x33: {  	v3 =	vld [tilespmem:$0x10];
	_ =	sdelay $0x4  }
0x34: {  	v61 =	vshrl.u32 v3, $0x3  }
0x35: {  	v4 =	vmul.u32 $0x30, v61  }
0x36: {  	v3 =	vand.u32 $0x7, v3  }
0x37: {  	v3 =	vor.u32 v3, v4  }
0x38: {  	v4 =	vperm.xlane v3, v0;
	_ =	sdelay $0x1  }
0x39: {  	v4 =	vadd.s32 v1, v4;
	_ =	sdelay $0x3  }
0x3a: {  	v3 =	vperm.xlane v3, v2  }
0x3b: {  	[tilespmem:s10], [sflag:$0x1] =	stream.indirect_vreg.gather [hbm4b:s3+s2], $0x80, v4, vm0, $0xb8;
	[tilespmem:$0xC100] =	vst v63  }
0x3c: {  	v3 =	vadd.s32 v1, v3  }
0x3d: {  	[tilespmem:s11], [sflag:$0x1] =	stream.indirect_vreg.gather [hbm4b:s4+s2], $0x80, v4, vm0, $0xb8;
	[tilespmem:$0xC100] =	vst v63  }
0x3e: {  	_ = 	snop  }
0x3f: {  	[tilespmem:s12], [sflag:$0x1] =	stream.indirect_vreg.gather [hbm4b:s5+s2], $0x80, v4, vm0, $0xb8;
	[tilespmem:$0xC100] =	vst v63  }
0x40: {  	_ = 	snop  }
0x41: {  	[tilespmem:s13], [sflag:$0x1] =	stream.indirect_vreg.gather [hbm4b:s3+s2], $0x80, v3, vm0, $0xb8;
	[tilespmem:$0xC100] =	vst v63  }
0x42: {  	_ = 	snop  }
0x43: {  	[tilespmem:s14], [sflag:$0x1] =	stream.indirect_vreg.gather [hbm4b:s4+s2], $0x80, v3, vm0, $0xb8;
	[tilespmem:$0xC100] =	vst v63  }
0x44: {  	_ = 	snop  }
0x45: {  	[tilespmem:s15], [sflag:$0x1] =	stream.indirect_vreg.gather [hbm4b:s5+s2], $0x80, v3, vm0, $0xb8;
	[tilespmem:$0xC100] =	vst v63  }
0x46: {  	v3 =	vld [tilespmem:$0x80];
	_ =	sdelay $0x4  }
0x47: {  	v62 =	vshrl.u32 v3, $0x3  }
0x48: {  	v4 =	vmul.u32 $0x30, v62  }
0x49: {  	v3 =	vand.u32 $0x7, v3  }
0x4a: {  	v3 =	vor.u32 v3, v4  }
0x4b: {  	v4 =	vperm.xlane v3, v0;
	_ =	sdelay $0x1  }
0x4c: {  	v4 =	vadd.s32 v1, v4;
	_ =	sdelay $0x3  }
0x4d: {  	v3 =	vperm.xlane v3, v2  }
0x4e: {  	[tilespmem:s16], [sflag:$0x2] =	stream.indirect_vreg.gather [hbm4b:s3+s2], $0x80, v4, vm0, $0xb8;
	[tilespmem:$0xC100] =	vst v63  }
0x4f: {  	v3 =	vadd.s32 v1, v3  }
0x50: {  	[tilespmem:s17], [sflag:$0x2] =	stream.indirect_vreg.gather [hbm4b:s4+s2], $0x80, v4, vm0, $0xb8;
	[tilespmem:$0xC100] =	vst v63  }
0x51: {  	_ = 	snop  }
0x52: {  	[tilespmem:s18], [sflag:$0x2] =	stream.indirect_vreg.gather [hbm4b:s5+s2], $0x80, v4, vm0, $0xb8;
	[tilespmem:$0xC100] =	vst v63  }
0x53: {  	_ = 	snop  }
0x54: {  	[tilespmem:s19], [sflag:$0x2] =	stream.indirect_vreg.gather [hbm4b:s3+s2], $0x80, v3, vm0, $0xb8;
	[tilespmem:$0xC100] =	vst v63  }
0x55: {  	_ = 	snop  }
0x56: {  	[tilespmem:s20], [sflag:$0x2] =	stream.indirect_vreg.gather [hbm4b:s4+s2], $0x80, v3, vm0, $0xb8;
	[tilespmem:$0xC100] =	vst v63  }
0x57: {  	_ = 	snop  }
0x58: {  	[tilespmem:s21], [sflag:$0x2] =	stream.indirect_vreg.gather [hbm4b:s5+s2], $0x80, v3, vm0, $0xb8;
	[tilespmem:$0xC100] =	vst v63  }
0x59: {  	v3 =	vld [tilespmem:$0x90];
	_ =	sdelay $0x4  }
0x5a: {  	v63 =	vshrl.u32 v3, $0x3  }
0x5b: {  	v4 =	vmul.u32 $0x30, v63  }
0x5c: {  	v3 =	vand.u32 $0x7, v3  }
0x5d: {  	v3 =	vor.u32 v3, v4  }
0x5e: {  	v4 =	vperm.xlane v3, v0;
	_ =	sdelay $0x1  }
0x5f: {  	v4 =	vadd.s32 v1, v4;
	_ =	sdelay $0x3  }
0x60: {  	v3 =	vperm.xlane v3, v2  }
0x61: {  	[tilespmem:s22], [sflag:$0x2] =	stream.indirect_vreg.gather [hbm4b:s3+s2], $0x80, v4, vm0, $0xb8;
	[tilespmem:$0xC100] =	vst v63  }
0x62: {  	v3 =	vadd.s32 v1, v3  }
0x63: {  	[tilespmem:s23], [sflag:$0x2] =	stream.indirect_vreg.gather [hbm4b:s4+s2], $0x80, v4, vm0, $0xb8;
	[tilespmem:$0xC100] =	vst v63  }
0x64: {  	_ = 	snop  }
0x65: {  	[tilespmem:s24], [sflag:$0x2] =	stream.indirect_vreg.gather [hbm4b:s5+s2], $0x80, v4, vm0, $0xb8;
	[tilespmem:$0xC100] =	vst v63  }
0x66: {  	_ = 	snop  }
0x67: {  	[tilespmem:s25], [sflag:$0x2] =	stream.indirect_vreg.gather [hbm4b:s3+s2], $0x80, v3, vm0, $0xb8;
	[tilespmem:$0xC100] =	vst v63  }
0x68: {  	_ = 	snop  }
0x69: {  	[tilespmem:s26], [sflag:$0x2] =	stream.indirect_vreg.gather [hbm4b:s4+s2], $0x80, v3, vm0, $0xb8;
	[tilespmem:$0xC100] =	vst v63  }
0x6a: {  	_ = 	snop  }
0x6b: {  	[tilespmem:s28], [sflag:$0x2] =	stream.indirect_vreg.gather [hbm4b:s5+s2], $0x80, v3, vm0, $0xb8;
	[tilespmem:$0xC100] =	vst v63  }
0x6c: {  	_ =	swait.ge [sflag:s29], $0x6000  }
0x6d: {  	[sflag:s29] =	ssyncset.done $0x0  }
0x6e: {  	s9 =	rddreg [dreg:$0x5];
	[sflag:s29] =	ssyncadd.s32 $0xFFFFA000  }
0x6f: {  	[hbm4b:s9+s2] =	stream.linear.scatter [tilespmem:s8], [sflag:$0x3], $0x6000, $0x38;
	[tilespmem:$0xC100] =	vst v63  }
0x70: {  	_ =	swait.ge [sflag:s30], $0x6000  }
0x71: {  	[sflag:s30] =	ssyncset.done $0x0  }
0x72: {  	s9 =	rddreg [dreg:$0x6];
	[sflag:s30] =	ssyncadd.s32 $0xFFFFA000  }
0x73: {  	[hbm4b:s9+s2] =	stream.linear.scatter [tilespmem:s16], [sflag:$0x4], $0x6000, $0x38;
	[tilespmem:$0xC100] =	vst v63  }
0x74: {  	p0 =	sne.s32 s6, $0x1;
	_ =	swait.ge [sflag:s31], $0x6000  }
.Ltmp0:
0x75: {  	[sflag:s31] =	ssyncset.done $0x0;
	(pc) =	sbr.rel @p0 .LBB2_1-.Ltmp0, $4  }
0x76: {  	[sflag:s31] =	ssyncadd.s32 $0xFFFFA000  }
0x77: {  	_ =	swait.ge [sflag:s0], $0x6000  }
0x78: {  	[sflag:s0] =	ssyncset.done $0x0  }
0x79: {  	s6 =	sadd.s32 $0xFFFFFFFF, s6;
	[sflag:s0] =	ssyncadd.s32 $0xFFFFA000  }
0x7a: {  	_ =	sfence.sel $0x180000  }
0x7b: {  	[bflag:$0x0] =	sbarrier.arrive $0xFFFF  }
0x7c: {  	_ =	strace $0x9000004A  }
0x7d: {  	s0 =	stileid.u32;
	[bflag:$0x2] =	sbarrier.arrive $0xFFFF  }
0x7e: {  	p0 =	sne.s32 s0, $0x0;
	s0 =	rddreg [dreg:$0x2]  }
0x7f: {  	s0 =	sadd.s32 @!p0 $0x100000, s0  }
0x80: {  	[sflag:s0] =	ssyncadd.tile.s32 @!p0 $0x1;
	_ =	shalt  }
.Lfunc_end2:
_tile_overlayer_lowered:
.L_overlay_start_2:
0x81: {  	(tag) =	ssettag $0x2  }
0x82: {  	s0 =	rddreg [dreg:$0x0];
	s2 =	stileid.u32  }
0x83: {  	s1 =	rddreg [dreg:$0x1];
	p0 =	sne.s32 s2, $0x0  }
0x84: {  	s3 =	rddreg [dreg:$0x2];
	[bflag:$0x3] =	sbarrier.arrive $0xFFFF;
	s2 =	simm.s32 @!p0 $0x1C05  }
0x85: {  	[timem:s3], [sflag:s2] =	dma.local @!p0 [hbm:s0], s1  }
0x86: {  	s0 =	simm.s32 @!p0 $0x5  }
0x87: {  	_ =	swait.ge @!p0 [sflag:s0], s1  }
0x88: {  	s1 =	ssub.s32 @!p0 $0x0, s1;
	[sflag:s0] =	ssyncset.done @!p0 $0x0  }
0x89: {  	[sflag:s0] =	ssyncadd.s32 @!p0 s1  }
0x8a: {  	[bflag:$0x3] =	sbarrier.arrive $0xFFFF  }
0x8b: {  	_ =	shalt  }

</sc_bundles>
